<compile_context>
chip_gen: v7x
topology: tpu7x:2x2x1
jax: 0.10.2.dev20260603
libtpu: 0.0.44.dev20260713+nightly
codegen_flags: <defaults>
</compile_context>

<pallas_src>
import functools

import jax
import jax.numpy as jnp
from jax import lax
from jax.experimental import pallas as pl
from jax.experimental.pallas import tpu as pltpu
from jax.experimental.pallas import tpu_sc as plsc

N = 10000
D = 128
H = 128
C = 64
E = 320000
W = 128

NC = 2
NS = 16
CHUNK = 128
G = 80
GP = 40
NCHUNKS = NC * NS * G
NBUF = 2
E_PAD = NCHUNKS * CHUNK
N_PAD = 10112
RPT = N_PAD // NS


@functools.lru_cache(maxsize=None)
def _seg_sum_kernel():
    mesh = plsc.VectorSubcoreMesh(core_axis_name="c", subcore_axis_name="s")

    @functools.partial(
        pl.kernel,
        out_type=jax.ShapeDtypeStruct((NC, N_PAD, W), jnp.float32),
        mesh=mesh,
        scratch_types=[
            pltpu.VMEM((GP, CHUNK), jnp.int32),
            pltpu.VMEM((GP, CHUNK), jnp.int32),
            [pltpu.VMEM((CHUNK, W), jnp.float32) for _ in range(NBUF)],
            pltpu.VMEM_SHARED((N_PAD, W), jnp.float32),
            [pltpu.SemaphoreType.DMA for _ in range(NBUF)],
            [pltpu.SemaphoreType.DMA for _ in range(NBUF)],
        ],
    )
    def seg_sum(x_hbm, src_hbm, dst_hbm, zeros_hbm, out_hbm,
                src_v, dst_v, bufs, agg_sh, gsems, ssems):
        c = lax.axis_index("c")
        s = lax.axis_index("s")
        wid = c * NS + s
        pltpu.sync_copy(zeros_hbm, agg_sh.at[pl.ds(s * RPT, RPT)])
        plsc.subcore_barrier()

        for ph in range(G // GP):
            pltpu.sync_copy(src_hbm.at[pl.ds(wid * G + ph * GP, GP)], src_v)
            pltpu.sync_copy(dst_hbm.at[pl.ds(wid * G + ph * GP, GP)], dst_v)
            for j in range(NBUF):
                pltpu.async_copy(x_hbm.at[src_v.at[j]], bufs[j], gsems[j])

            def body(k, carry):
                for j in range(NBUF):
                    g = k * NBUF + j
                    pltpu.make_async_copy(
                        x_hbm.at[src_v.at[g]], bufs[j], gsems[j]).wait()
                    pltpu.async_copy(
                        bufs[j], agg_sh.at[dst_v.at[g]], ssems[j], add=True)
                    pltpu.make_async_copy(
                        bufs[j], agg_sh.at[dst_v.at[g]], ssems[j]).wait()

                    @pl.when(k < GP // NBUF - 1)
                    def _():
                        pltpu.async_copy(
                            x_hbm.at[src_v.at[g + NBUF]], bufs[j], gsems[j])
                return carry

            lax.fori_loop(0, GP // NBUF, body, 0)
        plsc.subcore_barrier()
        pltpu.sync_copy(agg_sh.at[pl.ds(s * RPT, RPT)],
                        out_hbm.at[c].at[pl.ds(s * RPT, RPT)])

    return seg_sum


BM = 2000


def _l1_body(x_ref, p_ref, w1_ref, b1_ref, w2_ref, o_ref):
    h = jnp.dot(x_ref[...] + p_ref[0] + p_ref[1], w1_ref[...],
                preferred_element_type=jnp.float32) + b1_ref[...]
    y2 = jnp.dot(jnp.maximum(h, 0.0), w2_ref[...],
                 preferred_element_type=jnp.float32)
    o_ref[...] = jnp.concatenate(
        [y2, jnp.zeros((BM, W - C), jnp.float32)], axis=-1)


def _l2_body(y_ref, q_ref, b2_ref, o_ref):
    o_ref[...] = (y_ref[:, :C] + q_ref[0, :, :C] + q_ref[1, :, :C]
                  + b2_ref[...])


@functools.lru_cache(maxsize=None)
def _tc_layer1():
    return pl.pallas_call(
        _l1_body,
        grid=(N // BM,),
        in_specs=[
            pl.BlockSpec((BM, D), lambda i: (i, 0)),
            pl.BlockSpec((NC, BM, W), lambda i: (0, i, 0)),
            pl.BlockSpec((D, H), lambda i: (0, 0)),
            pl.BlockSpec((1, H), lambda i: (0, 0)),
            pl.BlockSpec((H, C), lambda i: (0, 0)),
        ],
        out_specs=pl.BlockSpec((BM, W), lambda i: (i, 0)),
        out_shape=jax.ShapeDtypeStruct((N, W), jnp.float32),
    )


@functools.lru_cache(maxsize=None)
def _tc_layer2():
    return pl.pallas_call(
        _l2_body,
        grid=(N // BM,),
        in_specs=[
            pl.BlockSpec((BM, W), lambda i: (i, 0)),
            pl.BlockSpec((NC, BM, W), lambda i: (0, i, 0)),
            pl.BlockSpec((1, C), lambda i: (0, 0)),
        ],
        out_specs=pl.BlockSpec((BM, C), lambda i: (i, 0)),
        out_shape=jax.ShapeDtypeStruct((N, C), jnp.float32),
    )


def kernel(feats, edge_index, W1, b1, W2, b2):
    src = edge_index[0].astype(jnp.int32)
    dst = edge_index[1].astype(jnp.int32)
    pad_i = jnp.arange(E_PAD - E, dtype=jnp.int32)
    src_p = jnp.concatenate(
        [src, pad_i % N]).reshape(NCHUNKS, CHUNK)
    dst_p = jnp.concatenate(
        [dst, N + pad_i % (N_PAD - N)]).reshape(NCHUNKS, CHUNK)
    zeros = jnp.zeros((RPT, W), jnp.float32)

    seg_sum = _seg_sum_kernel()
    p = seg_sum(feats, src_p, dst_p, zeros)
    y2p = _tc_layer1()(feats, p, W1, b1.reshape(1, H), W2)
    q = seg_sum(y2p, src_p, dst_p, zeros)
    out = _tc_layer2()(y2p, q, b2.reshape(1, C))
    return out

# --- scband reference (transcript-rebuilt; emitter-appended) ---
"""Pipeline reference for scband-ginprop-85452669321865 (READ-ONLY COPY).

The authoritative reference and input builder live on the scoring server;
editing this copy changes nothing except your own understanding.
"""

import jax, jax.numpy as jnp
import numpy as np

N_NODES = 10000
D_IN = 128
HIDDEN = 128
CLASSES = 64
N_EDGES = 320000


def setup_inputs(seed: int = 0) -> dict:
    key = jax.random.key(seed)
    k1, k2, k3, k4, k5, k6 = jax.random.split(key, 6)
    feats = jax.random.normal(k1, (N_NODES, D_IN), dtype=jnp.float32)
    edge_index = jax.random.randint(k2, (2, N_EDGES), 0, N_NODES, dtype=jnp.int64)
    # xavier_normal with relu gain for weights (PyTorch Linear convention transposed to [in, out])
    gain = float(np.sqrt(2.0))
    std1 = gain * np.sqrt(2.0 / (D_IN + HIDDEN))
    std2 = gain * np.sqrt(2.0 / (HIDDEN + CLASSES))
    W1 = jax.random.normal(k3, (D_IN, HIDDEN), dtype=jnp.float32) * std1
    b1 = jnp.zeros((HIDDEN,), dtype=jnp.float32)
    W2 = jax.random.normal(k4, (HIDDEN, CLASSES), dtype=jnp.float32) * std2
    b2 = jnp.zeros((CLASSES,), dtype=jnp.float32)
    return {"feats": feats, "edge_index": edge_index, "W1": W1, "b1": b1, "W2": W2, "b2": b2}


def reference(feats, edge_index, W1, b1, W2, b2):
    # GINprop with num_prop=2, aggregator='sum', eps=0 (GINConv default), eval mode (dropout off)
    src = edge_index[0]
    dst = edge_index[1]
    h = feats
    # layer 1: GINConv -> (1+eps)*h + sum_{j in N(i)} h_j, then apply_func (Linear)
    agg = jax.ops.segment_sum(h[src], dst, num_segments=N_NODES)
    h = (h + agg) @ W1 + b1
    # activation between layers
    h = jax.nn.relu(h)
    # layer 2
    agg = jax.ops.segment_sum(h[src], dst, num_segments=N_NODES)
    h = (h + agg) @ W2 + b2
    return h

if __name__ == "__main__":
    import jax
    _d = setup_inputs()
    print(jax.jit(kernel)(*tuple(_d.values())))

</pallas_src>

<mosaic_0001>
#map = affine_map<(d0, d1) -> (0, 0)>
#map1 = affine_map<(d0, d1) -> (0, 0, 0)>
module attributes {stable_mosaic.version = 14 : i64} {
  func.func @seg_sum(%arg0: i32, %arg1: i32, %arg2: memref<10000x128xf32, #tpu.memory_space<hbm>>, %arg3: memref<2560x128xi32, #tpu.memory_space<hbm>>, %arg4: memref<2560x128xi32, #tpu.memory_space<hbm>>, %arg5: memref<632x128xf32, #tpu.memory_space<hbm>>, %arg6: memref<2x10112x128xf32, #tpu.memory_space<hbm>>, %arg7: memref<40x128xi32, #tpu.memory_space<vmem>>, %arg8: memref<40x128xi32, #tpu.memory_space<vmem>>, %arg9: memref<128x128xf32, #tpu.memory_space<vmem>>, %arg10: memref<128x128xf32, #tpu.memory_space<vmem>>, %arg11: memref<10112x128xf32, #tpu.memory_space<vmem_shared>>, %arg12: memref<!tpu.dma_semaphore, #tpu.memory_space<semaphore_mem>>, %arg13: memref<!tpu.dma_semaphore, #tpu.memory_space<semaphore_mem>>, %arg14: memref<!tpu.dma_semaphore, #tpu.memory_space<semaphore_mem>>, %arg15: memref<!tpu.dma_semaphore, #tpu.memory_space<semaphore_mem>>) attributes {dimension_semantics = [#tpu.dimension_semantics<core_parallel>, #tpu.dimension_semantics<subcore_parallel>], iteration_bounds = array<i64: 2, 16>, scalar_prefetch = 0 : i64, scratch_operands = 9 : i64, tpu.core_type = #tpu.core_type<sc_vector_subcore>, window_params = [{transform_indices = #map}, {transform_indices = #map}, {transform_indices = #map}, {transform_indices = #map}, {transform_indices = #map1}]} {
    %mul3A = arith.constant 16 : i32
    %mul3A_0 = arith.muli %arg0, %mul3A : i32
    %add3A = arith.addi %mul3A_0, %arg1 : i32
    %mul3A_1 = arith.constant 632 : i32
    %mul3A_2 = arith.muli %arg1, %mul3A_1 : i32
    "tpu.region"() ({
      %run_scoped3A = tpu.sem_alloc : memref<!tpu.dma_semaphore, #tpu.memory_space<semaphore_mem>>
      %dma_start3A_62 = arith.constant 0 : i32
      %dma_start3A_63 = tpu.memref_slice %arg11[%mul3A_2, %dma_start3A_62] : memref<10112x128xf32, #tpu.memory_space<vmem_shared>> -> memref<632x128xf32, #tpu.memory_space<vmem_shared>>
      tpu.enqueue_dma source(%arg5 : memref<632x128xf32, #tpu.memory_space<hbm>>) target(%dma_start3A_63 : memref<632x128xf32, #tpu.memory_space<vmem_shared>>) target_semaphore(%run_scoped3A : memref<!tpu.dma_semaphore, #tpu.memory_space<semaphore_mem>>)
      %dma_wait3A = arith.constant 0 : i32
      %dma_wait3A_64 = tpu.memref_slice %arg11[%mul3A_2, %dma_wait3A] : memref<10112x128xf32, #tpu.memory_space<vmem_shared>> -> memref<632x128xf32, #tpu.memory_space<vmem_shared>>
      tpu.wait_dma2 semaphore(%run_scoped3A : memref<!tpu.dma_semaphore, #tpu.memory_space<semaphore_mem>>) src(%arg5 : memref<632x128xf32, #tpu.memory_space<hbm>>) dst(%dma_wait3A_64 : memref<632x128xf32, #tpu.memory_space<vmem_shared>>)
      tpu.yield
    }) : () -> ()
    %barrier3A = arith.constant 0 : index
    tpu.barrier barrier_id(%barrier3A)
    %mul3A_3 = arith.constant 80 : i32
    %mul3A_4 = arith.muli %add3A, %mul3A_3 : i32
    %add3A_5 = arith.constant 0 : i32
    %add3A_6 = arith.addi %mul3A_4, %add3A_5 : i32
    "tpu.region"() ({
      %run_scoped3A = tpu.sem_alloc : memref<!tpu.dma_semaphore, #tpu.memory_space<semaphore_mem>>
      %dma_start3A_62 = arith.constant 0 : i32
      %dma_start3A_63 = tpu.memref_slice %arg3[%add3A_6, %dma_start3A_62] : memref<2560x128xi32, #tpu.memory_space<hbm>> -> memref<40x128xi32, #tpu.memory_space<hbm>>
      %dma_start3A_64 = arith.constant 0 : i32
      %dma_start3A_65 = tpu.memref_slice %arg3[%add3A_6, %dma_start3A_64] : memref<2560x128xi32, #tpu.memory_space<hbm>> -> memref<40x128xi32, #tpu.memory_space<hbm>>
      tpu.enqueue_dma source(%dma_start3A_65 : memref<40x128xi32, #tpu.memory_space<hbm>>) target(%arg7 : memref<40x128xi32, #tpu.memory_space<vmem>>) target_semaphore(%run_scoped3A : memref<!tpu.dma_semaphore, #tpu.memory_space<semaphore_mem>>)
      %dma_wait3A = arith.constant 0 : i32
      %dma_wait3A_66 = tpu.memref_slice %arg3[%add3A_6, %dma_wait3A] : memref<2560x128xi32, #tpu.memory_space<hbm>> -> memref<40x128xi32, #tpu.memory_space<hbm>>
      %dma_wait3A_67 = arith.constant 0 : i32
      %dma_wait3A_68 = tpu.memref_slice %arg3[%add3A_6, %dma_wait3A_67] : memref<2560x128xi32, #tpu.memory_space<hbm>> -> memref<40x128xi32, #tpu.memory_space<hbm>>
      tpu.wait_dma2 semaphore(%run_scoped3A : memref<!tpu.dma_semaphore, #tpu.memory_space<semaphore_mem>>) src(%dma_wait3A_68 : memref<40x128xi32, #tpu.memory_space<hbm>>) dst(%arg7 : memref<40x128xi32, #tpu.memory_space<vmem>>)
      tpu.yield
    }) : () -> ()
    %mul3A_7 = arith.constant 80 : i32
    %mul3A_8 = arith.muli %add3A, %mul3A_7 : i32
    %add3A_9 = arith.constant 0 : i32
    %add3A_10 = arith.addi %mul3A_8, %add3A_9 : i32
    "tpu.region"() ({
      %run_scoped3A = tpu.sem_alloc : memref<!tpu.dma_semaphore, #tpu.memory_space<semaphore_mem>>
      %dma_start3A_62 = arith.constant 0 : i32
      %dma_start3A_63 = tpu.memref_slice %arg4[%add3A_10, %dma_start3A_62] : memref<2560x128xi32, #tpu.memory_space<hbm>> -> memref<40x128xi32, #tpu.memory_space<hbm>>
      %dma_start3A_64 = arith.constant 0 : i32
      %dma_start3A_65 = tpu.memref_slice %arg4[%add3A_10, %dma_start3A_64] : memref<2560x128xi32, #tpu.memory_space<hbm>> -> memref<40x128xi32, #tpu.memory_space<hbm>>
      tpu.enqueue_dma source(%dma_start3A_65 : memref<40x128xi32, #tpu.memory_space<hbm>>) target(%arg8 : memref<40x128xi32, #tpu.memory_space<vmem>>) target_semaphore(%run_scoped3A : memref<!tpu.dma_semaphore, #tpu.memory_space<semaphore_mem>>)
      %dma_wait3A = arith.constant 0 : i32
      %dma_wait3A_66 = tpu.memref_slice %arg4[%add3A_10, %dma_wait3A] : memref<2560x128xi32, #tpu.memory_space<hbm>> -> memref<40x128xi32, #tpu.memory_space<hbm>>
      %dma_wait3A_67 = arith.constant 0 : i32
      %dma_wait3A_68 = tpu.memref_slice %arg4[%add3A_10, %dma_wait3A_67] : memref<2560x128xi32, #tpu.memory_space<hbm>> -> memref<40x128xi32, #tpu.memory_space<hbm>>
      tpu.wait_dma2 semaphore(%run_scoped3A : memref<!tpu.dma_semaphore, #tpu.memory_space<semaphore_mem>>) src(%dma_wait3A_68 : memref<40x128xi32, #tpu.memory_space<hbm>>) dst(%arg8 : memref<40x128xi32, #tpu.memory_space<vmem>>)
      tpu.yield
    }) : () -> ()
    %dma_start3A = arith.constant 0 : i32
    %dma_start3A_11 = arith.constant 0 : i32
    %dma_start3A_12 = tpu.memref_slice %arg7[%dma_start3A, %dma_start3A_11] : memref<40x128xi32, #tpu.memory_space<vmem>> -> memref<1x128xi32, #tpu.memory_space<vmem>>
    %dma_start3A_13 = tpu.memref_squeeze %dma_start3A_12 : memref<1x128xi32, #tpu.memory_space<vmem>> -> memref<128xi32, #tpu.memory_space<vmem>>
    %dma_start3A_14 = arith.constant 0 : i32
    %dma_start3A_15 = arith.constant 0 : i32
    %dma_start3A_16 = tpu.memref_slice %arg2[%dma_start3A_14, %dma_start3A_15] : memref<10000x128xf32, #tpu.memory_space<hbm>> -> memref<10000x128xf32, #tpu.memory_space<hbm>>
    tpu.enqueue_indirect_dma source(%dma_start3A_16 : memref<10000x128xf32, #tpu.memory_space<hbm>>) target(%arg9 : memref<128x128xf32, #tpu.memory_space<vmem>>) offsets(%dma_start3A_13 : memref<128xi32, #tpu.memory_space<vmem>>) semaphore(%arg12 : memref<!tpu.dma_semaphore, #tpu.memory_space<semaphore_mem>>)
    %dma_start3A_17 = arith.constant 1 : i32
    %dma_start3A_18 = arith.constant 0 : i32
    %dma_start3A_19 = tpu.memref_slice %arg7[%dma_start3A_17, %dma_start3A_18] : memref<40x128xi32, #tpu.memory_space<vmem>> -> memref<1x128xi32, #tpu.memory_space<vmem>>
    %dma_start3A_20 = tpu.memref_squeeze %dma_start3A_19 : memref<1x128xi32, #tpu.memory_space<vmem>> -> memref<128xi32, #tpu.memory_space<vmem>>
    %dma_start3A_21 = arith.constant 0 : i32
    %dma_start3A_22 = arith.constant 0 : i32
    %dma_start3A_23 = tpu.memref_slice %arg2[%dma_start3A_21, %dma_start3A_22] : memref<10000x128xf32, #tpu.memory_space<hbm>> -> memref<10000x128xf32, #tpu.memory_space<hbm>>
    tpu.enqueue_indirect_dma source(%dma_start3A_23 : memref<10000x128xf32, #tpu.memory_space<hbm>>) target(%arg10 : memref<128x128xf32, #tpu.memory_space<vmem>>) offsets(%dma_start3A_20 : memref<128xi32, #tpu.memory_space<vmem>>) semaphore(%arg13 : memref<!tpu.dma_semaphore, #tpu.memory_space<semaphore_mem>>)
    %scan3A = arith.constant 0 : i32
    %scan3A_24 = arith.constant 0 : i32
    %scan3A_25 = arith.constant 20 : i32
    %scan3A_26 = arith.addi %scan3A_24, %scan3A_25 : i32
    %scan3A_27 = arith.constant 1 : i32
    scf.for %scan3A_62 = %scan3A_24 to %scan3A_26 step %scan3A_27  : i32 {
      %mul3A_63 = arith.constant 2 : i32
      %mul3A_64 = arith.muli %scan3A_62, %mul3A_63 : i32
      %add3A_65 = arith.constant 0 : i32
      %add3A_66 = arith.addi %mul3A_64, %add3A_65 : i32
      %dma_wait3A = arith.constant 0 : i32
      %dma_wait3A_67 = tpu.memref_slice %arg7[%add3A_66, %dma_wait3A] : memref<40x128xi32, #tpu.memory_space<vmem>> -> memref<1x128xi32, #tpu.memory_space<vmem>>
      %dma_wait3A_68 = tpu.memref_squeeze %dma_wait3A_67 : memref<1x128xi32, #tpu.memory_space<vmem>> -> memref<128xi32, #tpu.memory_space<vmem>>
      %dma_wait3A_69 = arith.constant 0 : i32
      %dma_wait3A_70 = arith.constant 0 : i32
      %dma_wait3A_71 = tpu.memref_slice %arg2[%dma_wait3A_69, %dma_wait3A_70] : memref<10000x128xf32, #tpu.memory_space<hbm>> -> memref<10000x128xf32, #tpu.memory_space<hbm>>
      tpu.wait_indirect_dma semaphore(%arg12 : memref<!tpu.dma_semaphore, #tpu.memory_space<semaphore_mem>>) src(%dma_wait3A_71 : memref<10000x128xf32, #tpu.memory_space<hbm>>) dst(%arg9 : memref<128x128xf32, #tpu.memory_space<vmem>>)
      %dma_start3A_72 = arith.constant 0 : i32
      %dma_start3A_73 = tpu.memref_slice %arg8[%add3A_66, %dma_start3A_72] : memref<40x128xi32, #tpu.memory_space<vmem>> -> memref<1x128xi32, #tpu.memory_space<vmem>>
      %dma_start3A_74 = tpu.memref_squeeze %dma_start3A_73 : memref<1x128xi32, #tpu.memory_space<vmem>> -> memref<128xi32, #tpu.memory_space<vmem>>
      %dma_start3A_75 = arith.constant 0 : i32
      %dma_start3A_76 = arith.constant 0 : i32
      %dma_start3A_77 = tpu.memref_slice %arg11[%dma_start3A_75, %dma_start3A_76] : memref<10112x128xf32, #tpu.memory_space<vmem_shared>> -> memref<10112x128xf32, #tpu.memory_space<vmem_shared>>
      tpu.enqueue_indirect_dma source(%arg9 : memref<128x128xf32, #tpu.memory_space<vmem>>) target(%dma_start3A_77 : memref<10112x128xf32, #tpu.memory_space<vmem_shared>>) offsets(%dma_start3A_74 : memref<128xi32, #tpu.memory_space<vmem>>) semaphore(%arg14 : memref<!tpu.dma_semaphore, #tpu.memory_space<semaphore_mem>>) {add = true}
      %dma_wait3A_78 = arith.constant 0 : i32
      %dma_wait3A_79 = tpu.memref_slice %arg8[%add3A_66, %dma_wait3A_78] : memref<40x128xi32, #tpu.memory_space<vmem>> -> memref<1x128xi32, #tpu.memory_space<vmem>>
      %dma_wait3A_80 = tpu.memref_squeeze %dma_wait3A_79 : memref<1x128xi32, #tpu.memory_space<vmem>> -> memref<128xi32, #tpu.memory_space<vmem>>
      %dma_wait3A_81 = arith.constant 0 : i32
      %dma_wait3A_82 = arith.constant 0 : i32
      %dma_wait3A_83 = tpu.memref_slice %arg11[%dma_wait3A_81, %dma_wait3A_82] : memref<10112x128xf32, #tpu.memory_space<vmem_shared>> -> memref<10112x128xf32, #tpu.memory_space<vmem_shared>>
      tpu.wait_indirect_dma semaphore(%arg14 : memref<!tpu.dma_semaphore, #tpu.memory_space<semaphore_mem>>) src(%arg9 : memref<128x128xf32, #tpu.memory_space<vmem>>) dst(%dma_wait3A_83 : memref<10112x128xf32, #tpu.memory_space<vmem_shared>>)
      %lt3A = arith.constant 19 : i32
      %lt3A_84 = arith.cmpi slt, %scan3A_62, %lt3A : i32
      %convert_element_type3A = arith.extui %lt3A_84 : i1 to i32
      %cond3A = arith.constant 0 : i32
      %cond3A_85 = arith.cmpi ne, %convert_element_type3A, %cond3A : i32
      scf.if %cond3A_85 {
        %add3A_113 = arith.constant 2 : i32
        %add3A_114 = arith.addi %add3A_66, %add3A_113 : i32
        %dma_start3A_115 = arith.constant 0 : i32
        %dma_start3A_116 = tpu.memref_slice %arg7[%add3A_114, %dma_start3A_115] : memref<40x128xi32, #tpu.memory_space<vmem>> -> memref<1x128xi32, #tpu.memory_space<vmem>>
        %dma_start3A_117 = tpu.memref_squeeze %dma_start3A_116 : memref<1x128xi32, #tpu.memory_space<vmem>> -> memref<128xi32, #tpu.memory_space<vmem>>
        %dma_start3A_118 = arith.constant 0 : i32
        %dma_start3A_119 = arith.constant 0 : i32
        %dma_start3A_120 = tpu.memref_slice %arg2[%dma_start3A_118, %dma_start3A_119] : memref<10000x128xf32, #tpu.memory_space<hbm>> -> memref<10000x128xf32, #tpu.memory_space<hbm>>
        tpu.enqueue_indirect_dma source(%dma_start3A_120 : memref<10000x128xf32, #tpu.memory_space<hbm>>) target(%arg9 : memref<128x128xf32, #tpu.memory_space<vmem>>) offsets(%dma_start3A_117 : memref<128xi32, #tpu.memory_space<vmem>>) semaphore(%arg12 : memref<!tpu.dma_semaphore, #tpu.memory_space<semaphore_mem>>)
      } else {
      }
      %mul3A_86 = arith.constant 2 : i32
      %mul3A_87 = arith.muli %scan3A_62, %mul3A_86 : i32
      %add3A_88 = arith.constant 1 : i32
      %add3A_89 = arith.addi %mul3A_87, %add3A_88 : i32
      %dma_wait3A_90 = arith.constant 0 : i32
      %dma_wait3A_91 = tpu.memref_slice %arg7[%add3A_89, %dma_wait3A_90] : memref<40x128xi32, #tpu.memory_space<vmem>> -> memref<1x128xi32, #tpu.memory_space<vmem>>
      %dma_wait3A_92 = tpu.memref_squeeze %dma_wait3A_91 : memref<1x128xi32, #tpu.memory_space<vmem>> -> memref<128xi32, #tpu.memory_space<vmem>>
      %dma_wait3A_93 = arith.constant 0 : i32
      %dma_wait3A_94 = arith.constant 0 : i32
      %dma_wait3A_95 = tpu.memref_slice %arg2[%dma_wait3A_93, %dma_wait3A_94] : memref<10000x128xf32, #tpu.memory_space<hbm>> -> memref<10000x128xf32, #tpu.memory_space<hbm>>
      tpu.wait_indirect_dma semaphore(%arg13 : memref<!tpu.dma_semaphore, #tpu.memory_space<semaphore_mem>>) src(%dma_wait3A_95 : memref<10000x128xf32, #tpu.memory_space<hbm>>) dst(%arg10 : memref<128x128xf32, #tpu.memory_space<vmem>>)
      %dma_start3A_96 = arith.constant 0 : i32
      %dma_start3A_97 = tpu.memref_slice %arg8[%add3A_89, %dma_start3A_96] : memref<40x128xi32, #tpu.memory_space<vmem>> -> memref<1x128xi32, #tpu.memory_space<vmem>>
      %dma_start3A_98 = tpu.memref_squeeze %dma_start3A_97 : memref<1x128xi32, #tpu.memory_space<vmem>> -> memref<128xi32, #tpu.memory_space<vmem>>
      %dma_start3A_99 = arith.constant 0 : i32
      %dma_start3A_100 = arith.constant 0 : i32
      %dma_start3A_101 = tpu.memref_slice %arg11[%dma_start3A_99, %dma_start3A_100] : memref<10112x128xf32, #tpu.memory_space<vmem_shared>> -> memref<10112x128xf32, #tpu.memory_space<vmem_shared>>
      tpu.enqueue_indirect_dma source(%arg10 : memref<128x128xf32, #tpu.memory_space<vmem>>) target(%dma_start3A_101 : memref<10112x128xf32, #tpu.memory_space<vmem_shared>>) offsets(%dma_start3A_98 : memref<128xi32, #tpu.memory_space<vmem>>) semaphore(%arg15 : memref<!tpu.dma_semaphore, #tpu.memory_space<semaphore_mem>>) {add = true}
      %dma_wait3A_102 = arith.constant 0 : i32
      %dma_wait3A_103 = tpu.memref_slice %arg8[%add3A_89, %dma_wait3A_102] : memref<40x128xi32, #tpu.memory_space<vmem>> -> memref<1x128xi32, #tpu.memory_space<vmem>>
      %dma_wait3A_104 = tpu.memref_squeeze %dma_wait3A_103 : memref<1x128xi32, #tpu.memory_space<vmem>> -> memref<128xi32, #tpu.memory_space<vmem>>
      %dma_wait3A_105 = arith.constant 0 : i32
      %dma_wait3A_106 = arith.constant 0 : i32
      %dma_wait3A_107 = tpu.memref_slice %arg11[%dma_wait3A_105, %dma_wait3A_106] : memref<10112x128xf32, #tpu.memory_space<vmem_shared>> -> memref<10112x128xf32, #tpu.memory_space<vmem_shared>>
      tpu.wait_indirect_dma semaphore(%arg15 : memref<!tpu.dma_semaphore, #tpu.memory_space<semaphore_mem>>) src(%arg10 : memref<128x128xf32, #tpu.memory_space<vmem>>) dst(%dma_wait3A_107 : memref<10112x128xf32, #tpu.memory_space<vmem_shared>>)
      %lt3A_108 = arith.constant 19 : i32
      %lt3A_109 = arith.cmpi slt, %scan3A_62, %lt3A_108 : i32
      %convert_element_type3A_110 = arith.extui %lt3A_109 : i1 to i32
      %cond3A_111 = arith.constant 0 : i32
      %cond3A_112 = arith.cmpi ne, %convert_element_type3A_110, %cond3A_111 : i32
      scf.if %cond3A_112 {
        %add3A_113 = arith.constant 2 : i32
        %add3A_114 = arith.addi %add3A_89, %add3A_113 : i32
        %dma_start3A_115 = arith.constant 0 : i32
        %dma_start3A_116 = tpu.memref_slice %arg7[%add3A_114, %dma_start3A_115] : memref<40x128xi32, #tpu.memory_space<vmem>> -> memref<1x128xi32, #tpu.memory_space<vmem>>
        %dma_start3A_117 = tpu.memref_squeeze %dma_start3A_116 : memref<1x128xi32, #tpu.memory_space<vmem>> -> memref<128xi32, #tpu.memory_space<vmem>>
        %dma_start3A_118 = arith.constant 0 : i32
        %dma_start3A_119 = arith.constant 0 : i32
        %dma_start3A_120 = tpu.memref_slice %arg2[%dma_start3A_118, %dma_start3A_119] : memref<10000x128xf32, #tpu.memory_space<hbm>> -> memref<10000x128xf32, #tpu.memory_space<hbm>>
        tpu.enqueue_indirect_dma source(%dma_start3A_120 : memref<10000x128xf32, #tpu.memory_space<hbm>>) target(%arg10 : memref<128x128xf32, #tpu.memory_space<vmem>>) offsets(%dma_start3A_117 : memref<128xi32, #tpu.memory_space<vmem>>) semaphore(%arg13 : memref<!tpu.dma_semaphore, #tpu.memory_space<semaphore_mem>>)
      } else {
      }
    }
    %scan3A_28 = arith.constant 20 : i32
    %mul3A_29 = arith.constant 80 : i32
    %mul3A_30 = arith.muli %add3A, %mul3A_29 : i32
    %add3A_31 = arith.constant 40 : i32
    %add3A_32 = arith.addi %mul3A_30, %add3A_31 : i32
    "tpu.region"() ({
      %run_scoped3A = tpu.sem_alloc : memref<!tpu.dma_semaphore, #tpu.memory_space<semaphore_mem>>
      %dma_start3A_62 = arith.constant 0 : i32
      %dma_start3A_63 = tpu.memref_slice %arg3[%add3A_32, %dma_start3A_62] : memref<2560x128xi32, #tpu.memory_space<hbm>> -> memref<40x128xi32, #tpu.memory_space<hbm>>
      %dma_start3A_64 = arith.constant 0 : i32
      %dma_start3A_65 = tpu.memref_slice %arg3[%add3A_32, %dma_start3A_64] : memref<2560x128xi32, #tpu.memory_space<hbm>> -> memref<40x128xi32, #tpu.memory_space<hbm>>
      tpu.enqueue_dma source(%dma_start3A_65 : memref<40x128xi32, #tpu.memory_space<hbm>>) target(%arg7 : memref<40x128xi32, #tpu.memory_space<vmem>>) target_semaphore(%run_scoped3A : memref<!tpu.dma_semaphore, #tpu.memory_space<semaphore_mem>>)
      %dma_wait3A = arith.constant 0 : i32
      %dma_wait3A_66 = tpu.memref_slice %arg3[%add3A_32, %dma_wait3A] : memref<2560x128xi32, #tpu.memory_space<hbm>> -> memref<40x128xi32, #tpu.memory_space<hbm>>
      %dma_wait3A_67 = arith.constant 0 : i32
      %dma_wait3A_68 = tpu.memref_slice %arg3[%add3A_32, %dma_wait3A_67] : memref<2560x128xi32, #tpu.memory_space<hbm>> -> memref<40x128xi32, #tpu.memory_space<hbm>>
      tpu.wait_dma2 semaphore(%run_scoped3A : memref<!tpu.dma_semaphore, #tpu.memory_space<semaphore_mem>>) src(%dma_wait3A_68 : memref<40x128xi32, #tpu.memory_space<hbm>>) dst(%arg7 : memref<40x128xi32, #tpu.memory_space<vmem>>)
      tpu.yield
    }) : () -> ()
    %mul3A_33 = arith.constant 80 : i32
    %mul3A_34 = arith.muli %add3A, %mul3A_33 : i32
    %add3A_35 = arith.constant 40 : i32
    %add3A_36 = arith.addi %mul3A_34, %add3A_35 : i32
    "tpu.region"() ({
      %run_scoped3A = tpu.sem_alloc : memref<!tpu.dma_semaphore, #tpu.memory_space<semaphore_mem>>
      %dma_start3A_62 = arith.constant 0 : i32
      %dma_start3A_63 = tpu.memref_slice %arg4[%add3A_36, %dma_start3A_62] : memref<2560x128xi32, #tpu.memory_space<hbm>> -> memref<40x128xi32, #tpu.memory_space<hbm>>
      %dma_start3A_64 = arith.constant 0 : i32
      %dma_start3A_65 = tpu.memref_slice %arg4[%add3A_36, %dma_start3A_64] : memref<2560x128xi32, #tpu.memory_space<hbm>> -> memref<40x128xi32, #tpu.memory_space<hbm>>
      tpu.enqueue_dma source(%dma_start3A_65 : memref<40x128xi32, #tpu.memory_space<hbm>>) target(%arg8 : memref<40x128xi32, #tpu.memory_space<vmem>>) target_semaphore(%run_scoped3A : memref<!tpu.dma_semaphore, #tpu.memory_space<semaphore_mem>>)
      %dma_wait3A = arith.constant 0 : i32
      %dma_wait3A_66 = tpu.memref_slice %arg4[%add3A_36, %dma_wait3A] : memref<2560x128xi32, #tpu.memory_space<hbm>> -> memref<40x128xi32, #tpu.memory_space<hbm>>
      %dma_wait3A_67 = arith.constant 0 : i32
      %dma_wait3A_68 = tpu.memref_slice %arg4[%add3A_36, %dma_wait3A_67] : memref<2560x128xi32, #tpu.memory_space<hbm>> -> memref<40x128xi32, #tpu.memory_space<hbm>>
      tpu.wait_dma2 semaphore(%run_scoped3A : memref<!tpu.dma_semaphore, #tpu.memory_space<semaphore_mem>>) src(%dma_wait3A_68 : memref<40x128xi32, #tpu.memory_space<hbm>>) dst(%arg8 : memref<40x128xi32, #tpu.memory_space<vmem>>)
      tpu.yield
    }) : () -> ()
    %dma_start3A_37 = arith.constant 0 : i32
    %dma_start3A_38 = arith.constant 0 : i32
    %dma_start3A_39 = tpu.memref_slice %arg7[%dma_start3A_37, %dma_start3A_38] : memref<40x128xi32, #tpu.memory_space<vmem>> -> memref<1x128xi32, #tpu.memory_space<vmem>>
    %dma_start3A_40 = tpu.memref_squeeze %dma_start3A_39 : memref<1x128xi32, #tpu.memory_space<vmem>> -> memref<128xi32, #tpu.memory_space<vmem>>
    %dma_start3A_41 = arith.constant 0 : i32
    %dma_start3A_42 = arith.constant 0 : i32
    %dma_start3A_43 = tpu.memref_slice %arg2[%dma_start3A_41, %dma_start3A_42] : memref<10000x128xf32, #tpu.memory_space<hbm>> -> memref<10000x128xf32, #tpu.memory_space<hbm>>
    tpu.enqueue_indirect_dma source(%dma_start3A_43 : memref<10000x128xf32, #tpu.memory_space<hbm>>) target(%arg9 : memref<128x128xf32, #tpu.memory_space<vmem>>) offsets(%dma_start3A_40 : memref<128xi32, #tpu.memory_space<vmem>>) semaphore(%arg12 : memref<!tpu.dma_semaphore, #tpu.memory_space<semaphore_mem>>)
    %dma_start3A_44 = arith.constant 1 : i32
    %dma_start3A_45 = arith.constant 0 : i32
    %dma_start3A_46 = tpu.memref_slice %arg7[%dma_start3A_44, %dma_start3A_45] : memref<40x128xi32, #tpu.memory_space<vmem>> -> memref<1x128xi32, #tpu.memory_space<vmem>>
    %dma_start3A_47 = tpu.memref_squeeze %dma_start3A_46 : memref<1x128xi32, #tpu.memory_space<vmem>> -> memref<128xi32, #tpu.memory_space<vmem>>
    %dma_start3A_48 = arith.constant 0 : i32
    %dma_start3A_49 = arith.constant 0 : i32
    %dma_start3A_50 = tpu.memref_slice %arg2[%dma_start3A_48, %dma_start3A_49] : memref<10000x128xf32, #tpu.memory_space<hbm>> -> memref<10000x128xf32, #tpu.memory_space<hbm>>
    tpu.enqueue_indirect_dma source(%dma_start3A_50 : memref<10000x128xf32, #tpu.memory_space<hbm>>) target(%arg10 : memref<128x128xf32, #tpu.memory_space<vmem>>) offsets(%dma_start3A_47 : memref<128xi32, #tpu.memory_space<vmem>>) semaphore(%arg13 : memref<!tpu.dma_semaphore, #tpu.memory_space<semaphore_mem>>)
    %scan3A_51 = arith.constant 0 : i32
    %scan3A_52 = arith.constant 0 : i32
    %scan3A_53 = arith.constant 20 : i32
    %scan3A_54 = arith.addi %scan3A_52, %scan3A_53 : i32
    %scan3A_55 = arith.constant 1 : i32
    scf.for %scan3A_62 = %scan3A_52 to %scan3A_54 step %scan3A_55  : i32 {
      %mul3A_63 = arith.constant 2 : i32
      %mul3A_64 = arith.muli %scan3A_62, %mul3A_63 : i32
      %add3A_65 = arith.constant 0 : i32
      %add3A_66 = arith.addi %mul3A_64, %add3A_65 : i32
      %dma_wait3A = arith.constant 0 : i32
      %dma_wait3A_67 = tpu.memref_slice %arg7[%add3A_66, %dma_wait3A] : memref<40x128xi32, #tpu.memory_space<vmem>> -> memref<1x128xi32, #tpu.memory_space<vmem>>
      %dma_wait3A_68 = tpu.memref_squeeze %dma_wait3A_67 : memref<1x128xi32, #tpu.memory_space<vmem>> -> memref<128xi32, #tpu.memory_space<vmem>>
      %dma_wait3A_69 = arith.constant 0 : i32
      %dma_wait3A_70 = arith.constant 0 : i32
      %dma_wait3A_71 = tpu.memref_slice %arg2[%dma_wait3A_69, %dma_wait3A_70] : memref<10000x128xf32, #tpu.memory_space<hbm>> -> memref<10000x128xf32, #tpu.memory_space<hbm>>
      tpu.wait_indirect_dma semaphore(%arg12 : memref<!tpu.dma_semaphore, #tpu.memory_space<semaphore_mem>>) src(%dma_wait3A_71 : memref<10000x128xf32, #tpu.memory_space<hbm>>) dst(%arg9 : memref<128x128xf32, #tpu.memory_space<vmem>>)
      %dma_start3A_72 = arith.constant 0 : i32
      %dma_start3A_73 = tpu.memref_slice %arg8[%add3A_66, %dma_start3A_72] : memref<40x128xi32, #tpu.memory_space<vmem>> -> memref<1x128xi32, #tpu.memory_space<vmem>>
      %dma_start3A_74 = tpu.memref_squeeze %dma_start3A_73 : memref<1x128xi32, #tpu.memory_space<vmem>> -> memref<128xi32, #tpu.memory_space<vmem>>
      %dma_start3A_75 = arith.constant 0 : i32
      %dma_start3A_76 = arith.constant 0 : i32
      %dma_start3A_77 = tpu.memref_slice %arg11[%dma_start3A_75, %dma_start3A_76] : memref<10112x128xf32, #tpu.memory_space<vmem_shared>> -> memref<10112x128xf32, #tpu.memory_space<vmem_shared>>
      tpu.enqueue_indirect_dma source(%arg9 : memref<128x128xf32, #tpu.memory_space<vmem>>) target(%dma_start3A_77 : memref<10112x128xf32, #tpu.memory_space<vmem_shared>>) offsets(%dma_start3A_74 : memref<128xi32, #tpu.memory_space<vmem>>) semaphore(%arg14 : memref<!tpu.dma_semaphore, #tpu.memory_space<semaphore_mem>>) {add = true}
      %dma_wait3A_78 = arith.constant 0 : i32
      %dma_wait3A_79 = tpu.memref_slice %arg8[%add3A_66, %dma_wait3A_78] : memref<40x128xi32, #tpu.memory_space<vmem>> -> memref<1x128xi32, #tpu.memory_space<vmem>>
      %dma_wait3A_80 = tpu.memref_squeeze %dma_wait3A_79 : memref<1x128xi32, #tpu.memory_space<vmem>> -> memref<128xi32, #tpu.memory_space<vmem>>
      %dma_wait3A_81 = arith.constant 0 : i32
      %dma_wait3A_82 = arith.constant 0 : i32
      %dma_wait3A_83 = tpu.memref_slice %arg11[%dma_wait3A_81, %dma_wait3A_82] : memref<10112x128xf32, #tpu.memory_space<vmem_shared>> -> memref<10112x128xf32, #tpu.memory_space<vmem_shared>>
      tpu.wait_indirect_dma semaphore(%arg14 : memref<!tpu.dma_semaphore, #tpu.memory_space<semaphore_mem>>) src(%arg9 : memref<128x128xf32, #tpu.memory_space<vmem>>) dst(%dma_wait3A_83 : memref<10112x128xf32, #tpu.memory_space<vmem_shared>>)
      %lt3A = arith.constant 19 : i32
      %lt3A_84 = arith.cmpi slt, %scan3A_62, %lt3A : i32
      %convert_element_type3A = arith.extui %lt3A_84 : i1 to i32
      %cond3A = arith.constant 0 : i32
      %cond3A_85 = arith.cmpi ne, %convert_element_type3A, %cond3A : i32
      scf.if %cond3A_85 {
        %add3A_113 = arith.constant 2 : i32
        %add3A_114 = arith.addi %add3A_66, %add3A_113 : i32
        %dma_start3A_115 = arith.constant 0 : i32
        %dma_start3A_116 = tpu.memref_slice %arg7[%add3A_114, %dma_start3A_115] : memref<40x128xi32, #tpu.memory_space<vmem>> -> memref<1x128xi32, #tpu.memory_space<vmem>>
        %dma_start3A_117 = tpu.memref_squeeze %dma_start3A_116 : memref<1x128xi32, #tpu.memory_space<vmem>> -> memref<128xi32, #tpu.memory_space<vmem>>
        %dma_start3A_118 = arith.constant 0 : i32
        %dma_start3A_119 = arith.constant 0 : i32
        %dma_start3A_120 = tpu.memref_slice %arg2[%dma_start3A_118, %dma_start3A_119] : memref<10000x128xf32, #tpu.memory_space<hbm>> -> memref<10000x128xf32, #tpu.memory_space<hbm>>
        tpu.enqueue_indirect_dma source(%dma_start3A_120 : memref<10000x128xf32, #tpu.memory_space<hbm>>) target(%arg9 : memref<128x128xf32, #tpu.memory_space<vmem>>) offsets(%dma_start3A_117 : memref<128xi32, #tpu.memory_space<vmem>>) semaphore(%arg12 : memref<!tpu.dma_semaphore, #tpu.memory_space<semaphore_mem>>)
      } else {
      }
      %mul3A_86 = arith.constant 2 : i32
      %mul3A_87 = arith.muli %scan3A_62, %mul3A_86 : i32
      %add3A_88 = arith.constant 1 : i32
      %add3A_89 = arith.addi %mul3A_87, %add3A_88 : i32
      %dma_wait3A_90 = arith.constant 0 : i32
      %dma_wait3A_91 = tpu.memref_slice %arg7[%add3A_89, %dma_wait3A_90] : memref<40x128xi32, #tpu.memory_space<vmem>> -> memref<1x128xi32, #tpu.memory_space<vmem>>
      %dma_wait3A_92 = tpu.memref_squeeze %dma_wait3A_91 : memref<1x128xi32, #tpu.memory_space<vmem>> -> memref<128xi32, #tpu.memory_space<vmem>>
      %dma_wait3A_93 = arith.constant 0 : i32
      %dma_wait3A_94 = arith.constant 0 : i32
      %dma_wait3A_95 = tpu.memref_slice %arg2[%dma_wait3A_93, %dma_wait3A_94] : memref<10000x128xf32, #tpu.memory_space<hbm>> -> memref<10000x128xf32, #tpu.memory_space<hbm>>
      tpu.wait_indirect_dma semaphore(%arg13 : memref<!tpu.dma_semaphore, #tpu.memory_space<semaphore_mem>>) src(%dma_wait3A_95 : memref<10000x128xf32, #tpu.memory_space<hbm>>) dst(%arg10 : memref<128x128xf32, #tpu.memory_space<vmem>>)
      %dma_start3A_96 = arith.constant 0 : i32
      %dma_start3A_97 = tpu.memref_slice %arg8[%add3A_89, %dma_start3A_96] : memref<40x128xi32, #tpu.memory_space<vmem>> -> memref<1x128xi32, #tpu.memory_space<vmem>>
      %dma_start3A_98 = tpu.memref_squeeze %dma_start3A_97 : memref<1x128xi32, #tpu.memory_space<vmem>> -> memref<128xi32, #tpu.memory_space<vmem>>
      %dma_start3A_99 = arith.constant 0 : i32
      %dma_start3A_100 = arith.constant 0 : i32
      %dma_start3A_101 = tpu.memref_slice %arg11[%dma_start3A_99, %dma_start3A_100] : memref<10112x128xf32, #tpu.memory_space<vmem_shared>> -> memref<10112x128xf32, #tpu.memory_space<vmem_shared>>
      tpu.enqueue_indirect_dma source(%arg10 : memref<128x128xf32, #tpu.memory_space<vmem>>) target(%dma_start3A_101 : memref<10112x128xf32, #tpu.memory_space<vmem_shared>>) offsets(%dma_start3A_98 : memref<128xi32, #tpu.memory_space<vmem>>) semaphore(%arg15 : memref<!tpu.dma_semaphore, #tpu.memory_space<semaphore_mem>>) {add = true}
      %dma_wait3A_102 = arith.constant 0 : i32
      %dma_wait3A_103 = tpu.memref_slice %arg8[%add3A_89, %dma_wait3A_102] : memref<40x128xi32, #tpu.memory_space<vmem>> -> memref<1x128xi32, #tpu.memory_space<vmem>>
      %dma_wait3A_104 = tpu.memref_squeeze %dma_wait3A_103 : memref<1x128xi32, #tpu.memory_space<vmem>> -> memref<128xi32, #tpu.memory_space<vmem>>
      %dma_wait3A_105 = arith.constant 0 : i32
      %dma_wait3A_106 = arith.constant 0 : i32
      %dma_wait3A_107 = tpu.memref_slice %arg11[%dma_wait3A_105, %dma_wait3A_106] : memref<10112x128xf32, #tpu.memory_space<vmem_shared>> -> memref<10112x128xf32, #tpu.memory_space<vmem_shared>>
      tpu.wait_indirect_dma semaphore(%arg15 : memref<!tpu.dma_semaphore, #tpu.memory_space<semaphore_mem>>) src(%arg10 : memref<128x128xf32, #tpu.memory_space<vmem>>) dst(%dma_wait3A_107 : memref<10112x128xf32, #tpu.memory_space<vmem_shared>>)
      %lt3A_108 = arith.constant 19 : i32
      %lt3A_109 = arith.cmpi slt, %scan3A_62, %lt3A_108 : i32
      %convert_element_type3A_110 = arith.extui %lt3A_109 : i1 to i32
      %cond3A_111 = arith.constant 0 : i32
      %cond3A_112 = arith.cmpi ne, %convert_element_type3A_110, %cond3A_111 : i32
      scf.if %cond3A_112 {
        %add3A_113 = arith.constant 2 : i32
        %add3A_114 = arith.addi %add3A_89, %add3A_113 : i32
        %dma_start3A_115 = arith.constant 0 : i32
        %dma_start3A_116 = tpu.memref_slice %arg7[%add3A_114, %dma_start3A_115] : memref<40x128xi32, #tpu.memory_space<vmem>> -> memref<1x128xi32, #tpu.memory_space<vmem>>
        %dma_start3A_117 = tpu.memref_squeeze %dma_start3A_116 : memref<1x128xi32, #tpu.memory_space<vmem>> -> memref<128xi32, #tpu.memory_space<vmem>>
        %dma_start3A_118 = arith.constant 0 : i32
        %dma_start3A_119 = arith.constant 0 : i32
        %dma_start3A_120 = tpu.memref_slice %arg2[%dma_start3A_118, %dma_start3A_119] : memref<10000x128xf32, #tpu.memory_space<hbm>> -> memref<10000x128xf32, #tpu.memory_space<hbm>>
        tpu.enqueue_indirect_dma source(%dma_start3A_120 : memref<10000x128xf32, #tpu.memory_space<hbm>>) target(%arg10 : memref<128x128xf32, #tpu.memory_space<vmem>>) offsets(%dma_start3A_117 : memref<128xi32, #tpu.memory_space<vmem>>) semaphore(%arg13 : memref<!tpu.dma_semaphore, #tpu.memory_space<semaphore_mem>>)
      } else {
      }
    }
    %scan3A_56 = arith.constant 20 : i32
    %barrier3A_57 = arith.constant 0 : index
    tpu.barrier barrier_id(%barrier3A_57)
    %mul3A_58 = arith.constant 632 : i32
    %mul3A_59 = arith.muli %arg1, %mul3A_58 : i32
    %mul3A_60 = arith.constant 632 : i32
    %mul3A_61 = arith.muli %arg1, %mul3A_60 : i32
    "tpu.region"() ({
      %run_scoped3A = tpu.sem_alloc : memref<!tpu.dma_semaphore, #tpu.memory_space<semaphore_mem>>
      %dma_start3A_62 = arith.constant 0 : i32
      %dma_start3A_63 = arith.constant 0 : i32
      %dma_start3A_64 = tpu.memref_slice %arg6[%arg0, %dma_start3A_62, %dma_start3A_63] : memref<2x10112x128xf32, #tpu.memory_space<hbm>> -> memref<1x10112x128xf32, #tpu.memory_space<hbm>>
      %dma_start3A_65 = tpu.memref_squeeze %dma_start3A_64 : memref<1x10112x128xf32, #tpu.memory_space<hbm>> -> memref<10112x128xf32, #tpu.memory_space<hbm>>
      %dma_start3A_66 = arith.constant 0 : i32
      %dma_start3A_67 = tpu.memref_slice %dma_start3A_65[%mul3A_61, %dma_start3A_66] : memref<10112x128xf32, #tpu.memory_space<hbm>> -> memref<632x128xf32, #tpu.memory_space<hbm>>
      %dma_start3A_68 = arith.constant 0 : i32
      %dma_start3A_69 = tpu.memref_slice %arg11[%mul3A_59, %dma_start3A_68] : memref<10112x128xf32, #tpu.memory_space<vmem_shared>> -> memref<632x128xf32, #tpu.memory_space<vmem_shared>>
      tpu.enqueue_dma source(%dma_start3A_69 : memref<632x128xf32, #tpu.memory_space<vmem_shared>>) target(%dma_start3A_67 : memref<632x128xf32, #tpu.memory_space<hbm>>) target_semaphore(%run_scoped3A : memref<!tpu.dma_semaphore, #tpu.memory_space<semaphore_mem>>)
      %dma_wait3A = arith.constant 0 : i32
      %dma_wait3A_70 = arith.constant 0 : i32
      %dma_wait3A_71 = tpu.memref_slice %arg6[%arg0, %dma_wait3A, %dma_wait3A_70] : memref<2x10112x128xf32, #tpu.memory_space<hbm>> -> memref<1x10112x128xf32, #tpu.memory_space<hbm>>
      %dma_wait3A_72 = tpu.memref_squeeze %dma_wait3A_71 : memref<1x10112x128xf32, #tpu.memory_space<hbm>> -> memref<10112x128xf32, #tpu.memory_space<hbm>>
      %dma_wait3A_73 = arith.constant 0 : i32
      %dma_wait3A_74 = tpu.memref_slice %dma_wait3A_72[%mul3A_61, %dma_wait3A_73] : memref<10112x128xf32, #tpu.memory_space<hbm>> -> memref<632x128xf32, #tpu.memory_space<hbm>>
      %dma_wait3A_75 = arith.constant 0 : i32
      %dma_wait3A_76 = tpu.memref_slice %arg11[%mul3A_59, %dma_wait3A_75] : memref<10112x128xf32, #tpu.memory_space<vmem_shared>> -> memref<632x128xf32, #tpu.memory_space<vmem_shared>>
      tpu.wait_dma2 semaphore(%run_scoped3A : memref<!tpu.dma_semaphore, #tpu.memory_space<semaphore_mem>>) src(%dma_wait3A_76 : memref<632x128xf32, #tpu.memory_space<vmem_shared>>) dst(%dma_wait3A_74 : memref<632x128xf32, #tpu.memory_space<hbm>>)
      tpu.yield
    }) : () -> ()
    return
  }
}

#map = affine_map<(d0, d1) -> (0, 0)>
#map1 = affine_map<(d0, d1) -> (0, 0, 0)>
module attributes {stable_mosaic.version = 14 : i64} {
  func.func @seg_sum(%arg0: i32, %arg1: i32, %arg2: memref<10000x128xf32, #tpu.memory_space<hbm>>, %arg3: memref<2560x128xi32, #tpu.memory_space<hbm>>, %arg4: memref<2560x128xi32, #tpu.memory_space<hbm>>, %arg5: memref<632x128xf32, #tpu.memory_space<hbm>>, %arg6: memref<2x10112x128xf32, #tpu.memory_space<hbm>>, %arg7: memref<40x128xi32, #tpu.memory_space<vmem>>, %arg8: memref<40x128xi32, #tpu.memory_space<vmem>>, %arg9: memref<128x128xf32, #tpu.memory_space<vmem>>, %arg10: memref<128x128xf32, #tpu.memory_space<vmem>>, %arg11: memref<10112x128xf32, #tpu.memory_space<vmem_shared>>, %arg12: memref<!tpu.dma_semaphore, #tpu.memory_space<semaphore_mem>>, %arg13: memref<!tpu.dma_semaphore, #tpu.memory_space<semaphore_mem>>, %arg14: memref<!tpu.dma_semaphore, #tpu.memory_space<semaphore_mem>>, %arg15: memref<!tpu.dma_semaphore, #tpu.memory_space<semaphore_mem>>) attributes {dimension_semantics = [#tpu.dimension_semantics<core_parallel>, #tpu.dimension_semantics<subcore_parallel>], iteration_bounds = array<i64: 2, 16>, scalar_prefetch = 0 : i64, scratch_operands = 9 : i64, tpu.core_type = #tpu.core_type<sc_vector_subcore>, window_params = [{transform_indices = #map}, {transform_indices = #map}, {transform_indices = #map}, {transform_indices = #map}, {transform_indices = #map1}]} {
    %mul3A = arith.constant 16 : i32
    %mul3A_0 = arith.muli %arg0, %mul3A : i32
    %add3A = arith.addi %mul3A_0, %arg1 : i32
    %mul3A_1 = arith.constant 632 : i32
    %mul3A_2 = arith.muli %arg1, %mul3A_1 : i32
    "tpu.region"() ({
      %run_scoped3A = tpu.sem_alloc : memref<!tpu.dma_semaphore, #tpu.memory_space<semaphore_mem>>
      %dma_start3A_62 = arith.constant 0 : i32
      %dma_start3A_63 = tpu.memref_slice %arg11[%mul3A_2, %dma_start3A_62] : memref<10112x128xf32, #tpu.memory_space<vmem_shared>> -> memref<632x128xf32, #tpu.memory_space<vmem_shared>>
      tpu.enqueue_dma source(%arg5 : memref<632x128xf32, #tpu.memory_space<hbm>>) target(%dma_start3A_63 : memref<632x128xf32, #tpu.memory_space<vmem_shared>>) target_semaphore(%run_scoped3A : memref<!tpu.dma_semaphore, #tpu.memory_space<semaphore_mem>>)
      %dma_wait3A = arith.constant 0 : i32
      %dma_wait3A_64 = tpu.memref_slice %arg11[%mul3A_2, %dma_wait3A] : memref<10112x128xf32, #tpu.memory_space<vmem_shared>> -> memref<632x128xf32, #tpu.memory_space<vmem_shared>>
      tpu.wait_dma2 semaphore(%run_scoped3A : memref<!tpu.dma_semaphore, #tpu.memory_space<semaphore_mem>>) src(%arg5 : memref<632x128xf32, #tpu.memory_space<hbm>>) dst(%dma_wait3A_64 : memref<632x128xf32, #tpu.memory_space<vmem_shared>>)
      tpu.yield
    }) : () -> ()
    %barrier3A = arith.constant 0 : index
    tpu.barrier barrier_id(%barrier3A)
    %mul3A_3 = arith.constant 80 : i32
    %mul3A_4 = arith.muli %add3A, %mul3A_3 : i32
    %add3A_5 = arith.constant 0 : i32
    %add3A_6 = arith.addi %mul3A_4, %add3A_5 : i32
    "tpu.region"() ({
      %run_scoped3A = tpu.sem_alloc : memref<!tpu.dma_semaphore, #tpu.memory_space<semaphore_mem>>
      %dma_start3A_62 = arith.constant 0 : i32
      %dma_start3A_63 = tpu.memref_slice %arg3[%add3A_6, %dma_start3A_62] : memref<2560x128xi32, #tpu.memory_space<hbm>> -> memref<40x128xi32, #tpu.memory_space<hbm>>
      %dma_start3A_64 = arith.constant 0 : i32
      %dma_start3A_65 = tpu.memref_slice %arg3[%add3A_6, %dma_start3A_64] : memref<2560x128xi32, #tpu.memory_space<hbm>> -> memref<40x128xi32, #tpu.memory_space<hbm>>
      tpu.enqueue_dma source(%dma_start3A_65 : memref<40x128xi32, #tpu.memory_space<hbm>>) target(%arg7 : memref<40x128xi32, #tpu.memory_space<vmem>>) target_semaphore(%run_scoped3A : memref<!tpu.dma_semaphore, #tpu.memory_space<semaphore_mem>>)
      %dma_wait3A = arith.constant 0 : i32
      %dma_wait3A_66 = tpu.memref_slice %arg3[%add3A_6, %dma_wait3A] : memref<2560x128xi32, #tpu.memory_space<hbm>> -> memref<40x128xi32, #tpu.memory_space<hbm>>
      %dma_wait3A_67 = arith.constant 0 : i32
      %dma_wait3A_68 = tpu.memref_slice %arg3[%add3A_6, %dma_wait3A_67] : memref<2560x128xi32, #tpu.memory_space<hbm>> -> memref<40x128xi32, #tpu.memory_space<hbm>>
      tpu.wait_dma2 semaphore(%run_scoped3A : memref<!tpu.dma_semaphore, #tpu.memory_space<semaphore_mem>>) src(%dma_wait3A_68 : memref<40x128xi32, #tpu.memory_space<hbm>>) dst(%arg7 : memref<40x128xi32, #tpu.memory_space<vmem>>)
      tpu.yield
    }) : () -> ()
    %mul3A_7 = arith.constant 80 : i32
    %mul3A_8 = arith.muli %add3A, %mul3A_7 : i32
    %add3A_9 = arith.constant 0 : i32
    %add3A_10 = arith.addi %mul3A_8, %add3A_9 : i32
    "tpu.region"() ({
      %run_scoped3A = tpu.sem_alloc : memref<!tpu.dma_semaphore, #tpu.memory_space<semaphore_mem>>
      %dma_start3A_62 = arith.constant 0 : i32
      %dma_start3A_63 = tpu.memref_slice %arg4[%add3A_10, %dma_start3A_62] : memref<2560x128xi32, #tpu.memory_space<hbm>> -> memref<40x128xi32, #tpu.memory_space<hbm>>
      %dma_start3A_64 = arith.constant 0 : i32
      %dma_start3A_65 = tpu.memref_slice %arg4[%add3A_10, %dma_start3A_64] : memref<2560x128xi32, #tpu.memory_space<hbm>> -> memref<40x128xi32, #tpu.memory_space<hbm>>
      tpu.enqueue_dma source(%dma_start3A_65 : memref<40x128xi32, #tpu.memory_space<hbm>>) target(%arg8 : memref<40x128xi32, #tpu.memory_space<vmem>>) target_semaphore(%run_scoped3A : memref<!tpu.dma_semaphore, #tpu.memory_space<semaphore_mem>>)
      %dma_wait3A = arith.constant 0 : i32
      %dma_wait3A_66 = tpu.memref_slice %arg4[%add3A_10, %dma_wait3A] : memref<2560x128xi32, #tpu.memory_space<hbm>> -> memref<40x128xi32, #tpu.memory_space<hbm>>
      %dma_wait3A_67 = arith.constant 0 : i32
      %dma_wait3A_68 = tpu.memref_slice %arg4[%add3A_10, %dma_wait3A_67] : memref<2560x128xi32, #tpu.memory_space<hbm>> -> memref<40x128xi32, #tpu.memory_space<hbm>>
      tpu.wait_dma2 semaphore(%run_scoped3A : memref<!tpu.dma_semaphore, #tpu.memory_space<semaphore_mem>>) src(%dma_wait3A_68 : memref<40x128xi32, #tpu.memory_space<hbm>>) dst(%arg8 : memref<40x128xi32, #tpu.memory_space<vmem>>)
      tpu.yield
    }) : () -> ()
    %dma_start3A = arith.constant 0 : i32
    %dma_start3A_11 = arith.constant 0 : i32
    %dma_start3A_12 = tpu.memref_slice %arg7[%dma_start3A, %dma_start3A_11] : memref<40x128xi32, #tpu.memory_space<vmem>> -> memref<1x128xi32, #tpu.memory_space<vmem>>
    %dma_start3A_13 = tpu.memref_squeeze %dma_start3A_12 : memref<1x128xi32, #tpu.memory_space<vmem>> -> memref<128xi32, #tpu.memory_space<vmem>>
    %dma_start3A_14 = arith.constant 0 : i32
    %dma_start3A_15 = arith.constant 0 : i32
    %dma_start3A_16 = tpu.memref_slice %arg2[%dma_start3A_14, %dma_start3A_15] : memref<10000x128xf32, #tpu.memory_space<hbm>> -> memref<10000x128xf32, #tpu.memory_space<hbm>>
    tpu.enqueue_indirect_dma source(%dma_start3A_16 : memref<10000x128xf32, #tpu.memory_space<hbm>>) target(%arg9 : memref<128x128xf32, #tpu.memory_space<vmem>>) offsets(%dma_start3A_13 : memref<128xi32, #tpu.memory_space<vmem>>) semaphore(%arg12 : memref<!tpu.dma_semaphore, #tpu.memory_space<semaphore_mem>>)
    %dma_start3A_17 = arith.constant 1 : i32
    %dma_start3A_18 = arith.constant 0 : i32
    %dma_start3A_19 = tpu.memref_slice %arg7[%dma_start3A_17, %dma_start3A_18] : memref<40x128xi32, #tpu.memory_space<vmem>> -> memref<1x128xi32, #tpu.memory_space<vmem>>
    %dma_start3A_20 = tpu.memref_squeeze %dma_start3A_19 : memref<1x128xi32, #tpu.memory_space<vmem>> -> memref<128xi32, #tpu.memory_space<vmem>>
    %dma_start3A_21 = arith.constant 0 : i32
    %dma_start3A_22 = arith.constant 0 : i32
    %dma_start3A_23 = tpu.memref_slice %arg2[%dma_start3A_21, %dma_start3A_22] : memref<10000x128xf32, #tpu.memory_space<hbm>> -> memref<10000x128xf32, #tpu.memory_space<hbm>>
    tpu.enqueue_indirect_dma source(%dma_start3A_23 : memref<10000x128xf32, #tpu.memory_space<hbm>>) target(%arg10 : memref<128x128xf32, #tpu.memory_space<vmem>>) offsets(%dma_start3A_20 : memref<128xi32, #tpu.memory_space<vmem>>) semaphore(%arg13 : memref<!tpu.dma_semaphore, #tpu.memory_space<semaphore_mem>>)
    %scan3A = arith.constant 0 : i32
    %scan3A_24 = arith.constant 0 : i32
    %scan3A_25 = arith.constant 20 : i32
    %scan3A_26 = arith.addi %scan3A_24, %scan3A_25 : i32
    %scan3A_27 = arith.constant 1 : i32
    scf.for %scan3A_62 = %scan3A_24 to %scan3A_26 step %scan3A_27  : i32 {
      %mul3A_63 = arith.constant 2 : i32
      %mul3A_64 = arith.muli %scan3A_62, %mul3A_63 : i32
      %add3A_65 = arith.constant 0 : i32
      %add3A_66 = arith.addi %mul3A_64, %add3A_65 : i32
      %dma_wait3A = arith.constant 0 : i32
      %dma_wait3A_67 = tpu.memref_slice %arg7[%add3A_66, %dma_wait3A] : memref<40x128xi32, #tpu.memory_space<vmem>> -> memref<1x128xi32, #tpu.memory_space<vmem>>
      %dma_wait3A_68 = tpu.memref_squeeze %dma_wait3A_67 : memref<1x128xi32, #tpu.memory_space<vmem>> -> memref<128xi32, #tpu.memory_space<vmem>>
      %dma_wait3A_69 = arith.constant 0 : i32
      %dma_wait3A_70 = arith.constant 0 : i32
      %dma_wait3A_71 = tpu.memref_slice %arg2[%dma_wait3A_69, %dma_wait3A_70] : memref<10000x128xf32, #tpu.memory_space<hbm>> -> memref<10000x128xf32, #tpu.memory_space<hbm>>
      tpu.wait_indirect_dma semaphore(%arg12 : memref<!tpu.dma_semaphore, #tpu.memory_space<semaphore_mem>>) src(%dma_wait3A_71 : memref<10000x128xf32, #tpu.memory_space<hbm>>) dst(%arg9 : memref<128x128xf32, #tpu.memory_space<vmem>>)
      %dma_start3A_72 = arith.constant 0 : i32
      %dma_start3A_73 = tpu.memref_slice %arg8[%add3A_66, %dma_start3A_72] : memref<40x128xi32, #tpu.memory_space<vmem>> -> memref<1x128xi32, #tpu.memory_space<vmem>>
      %dma_start3A_74 = tpu.memref_squeeze %dma_start3A_73 : memref<1x128xi32, #tpu.memory_space<vmem>> -> memref<128xi32, #tpu.memory_space<vmem>>
      %dma_start3A_75 = arith.constant 0 : i32
      %dma_start3A_76 = arith.constant 0 : i32
      %dma_start3A_77 = tpu.memref_slice %arg11[%dma_start3A_75, %dma_start3A_76] : memref<10112x128xf32, #tpu.memory_space<vmem_shared>> -> memref<10112x128xf32, #tpu.memory_space<vmem_shared>>
      tpu.enqueue_indirect_dma source(%arg9 : memref<128x128xf32, #tpu.memory_space<vmem>>) target(%dma_start3A_77 : memref<10112x128xf32, #tpu.memory_space<vmem_shared>>) offsets(%dma_start3A_74 : memref<128xi32, #tpu.memory_space<vmem>>) semaphore(%arg14 : memref<!tpu.dma_semaphore, #tpu.memory_space<semaphore_mem>>) {add = true}
      %dma_wait3A_78 = arith.constant 0 : i32
      %dma_wait3A_79 = tpu.memref_slice %arg8[%add3A_66, %dma_wait3A_78] : memref<40x128xi32, #tpu.memory_space<vmem>> -> memref<1x128xi32, #tpu.memory_space<vmem>>
      %dma_wait3A_80 = tpu.memref_squeeze %dma_wait3A_79 : memref<1x128xi32, #tpu.memory_space<vmem>> -> memref<128xi32, #tpu.memory_space<vmem>>
      %dma_wait3A_81 = arith.constant 0 : i32
      %dma_wait3A_82 = arith.constant 0 : i32
      %dma_wait3A_83 = tpu.memref_slice %arg11[%dma_wait3A_81, %dma_wait3A_82] : memref<10112x128xf32, #tpu.memory_space<vmem_shared>> -> memref<10112x128xf32, #tpu.memory_space<vmem_shared>>
      tpu.wait_indirect_dma semaphore(%arg14 : memref<!tpu.dma_semaphore, #tpu.memory_space<semaphore_mem>>) src(%arg9 : memref<128x128xf32, #tpu.memory_space<vmem>>) dst(%dma_wait3A_83 : memref<10112x128xf32, #tpu.memory_space<vmem_shared>>)
      %lt3A = arith.constant 19 : i32
      %lt3A_84 = arith.cmpi slt, %scan3A_62, %lt3A : i32
      %convert_element_type3A = arith.extui %lt3A_84 : i1 to i32
      %cond3A = arith.constant 0 : i32
      %cond3A_85 = arith.cmpi ne, %convert_element_type3A, %cond3A : i32
      scf.if %cond3A_85 {
        %add3A_113 = arith.constant 2 : i32
        %add3A_114 = arith.addi %add3A_66, %add3A_113 : i32
        %dma_start3A_115 = arith.constant 0 : i32
        %dma_start3A_116 = tpu.memref_slice %arg7[%add3A_114, %dma_start3A_115] : memref<40x128xi32, #tpu.memory_space<vmem>> -> memref<1x128xi32, #tpu.memory_space<vmem>>
        %dma_start3A_117 = tpu.memref_squeeze %dma_start3A_116 : memref<1x128xi32, #tpu.memory_space<vmem>> -> memref<128xi32, #tpu.memory_space<vmem>>
        %dma_start3A_118 = arith.constant 0 : i32
        %dma_start3A_119 = arith.constant 0 : i32
        %dma_start3A_120 = tpu.memref_slice %arg2[%dma_start3A_118, %dma_start3A_119] : memref<10000x128xf32, #tpu.memory_space<hbm>> -> memref<10000x128xf32, #tpu.memory_space<hbm>>
        tpu.enqueue_indirect_dma source(%dma_start3A_120 : memref<10000x128xf32, #tpu.memory_space<hbm>>) target(%arg9 : memref<128x128xf32, #tpu.memory_space<vmem>>) offsets(%dma_start3A_117 : memref<128xi32, #tpu.memory_space<vmem>>) semaphore(%arg12 : memref<!tpu.dma_semaphore, #tpu.memory_space<semaphore_mem>>)
      } else {
      }
      %mul3A_86 = arith.constant 2 : i32
      %mul3A_87 = arith.muli %scan3A_62, %mul3A_86 : i32
      %add3A_88 = arith.constant 1 : i32
      %add3A_89 = arith.addi %mul3A_87, %add3A_88 : i32
      %dma_wait3A_90 = arith.constant 0 : i32
      %dma_wait3A_91 = tpu.memref_slice %arg7[%add3A_89, %dma_wait3A_90] : memref<40x128xi32, #tpu.memory_space<vmem>> -> memref<1x128xi32, #tpu.memory_space<vmem>>
      %dma_wait3A_92 = tpu.memref_squeeze %dma_wait3A_91 : memref<1x128xi32, #tpu.memory_space<vmem>> -> memref<128xi32, #tpu.memory_space<vmem>>
      %dma_wait3A_93 = arith.constant 0 : i32
      %dma_wait3A_94 = arith.constant 0 : i32
      %dma_wait3A_95 = tpu.memref_slice %arg2[%dma_wait3A_93, %dma_wait3A_94] : memref<10000x128xf32, #tpu.memory_space<hbm>> -> memref<10000x128xf32, #tpu.memory_space<hbm>>
      tpu.wait_indirect_dma semaphore(%arg13 : memref<!tpu.dma_semaphore, #tpu.memory_space<semaphore_mem>>) src(%dma_wait3A_95 : memref<10000x128xf32, #tpu.memory_space<hbm>>) dst(%arg10 : memref<128x128xf32, #tpu.memory_space<vmem>>)
      %dma_start3A_96 = arith.constant 0 : i32
      %dma_start3A_97 = tpu.memref_slice %arg8[%add3A_89, %dma_start3A_96] : memref<40x128xi32, #tpu.memory_space<vmem>> -> memref<1x128xi32, #tpu.memory_space<vmem>>
      %dma_start3A_98 = tpu.memref_squeeze %dma_start3A_97 : memref<1x128xi32, #tpu.memory_space<vmem>> -> memref<128xi32, #tpu.memory_space<vmem>>
      %dma_start3A_99 = arith.constant 0 : i32
      %dma_start3A_100 = arith.constant 0 : i32
      %dma_start3A_101 = tpu.memref_slice %arg11[%dma_start3A_99, %dma_start3A_100] : memref<10112x128xf32, #tpu.memory_space<vmem_shared>> -> memref<10112x128xf32, #tpu.memory_space<vmem_shared>>
      tpu.enqueue_indirect_dma source(%arg10 : memref<128x128xf32, #tpu.memory_space<vmem>>) target(%dma_start3A_101 : memref<10112x128xf32, #tpu.memory_space<vmem_shared>>) offsets(%dma_start3A_98 : memref<128xi32, #tpu.memory_space<vmem>>) semaphore(%arg15 : memref<!tpu.dma_semaphore, #tpu.memory_space<semaphore_mem>>) {add = true}
      %dma_wait3A_102 = arith.constant 0 : i32
      %dma_wait3A_103 = tpu.memref_slice %arg8[%add3A_89, %dma_wait3A_102] : memref<40x128xi32, #tpu.memory_space<vmem>> -> memref<1x128xi32, #tpu.memory_space<vmem>>
      %dma_wait3A_104 = tpu.memref_squeeze %dma_wait3A_103 : memref<1x128xi32, #tpu.memory_space<vmem>> -> memref<128xi32, #tpu.memory_space<vmem>>
      %dma_wait3A_105 = arith.constant 0 : i32
      %dma_wait3A_106 = arith.constant 0 : i32
      %dma_wait3A_107 = tpu.memref_slice %arg11[%dma_wait3A_105, %dma_wait3A_106] : memref<10112x128xf32, #tpu.memory_space<vmem_shared>> -> memref<10112x128xf32, #tpu.memory_space<vmem_shared>>
      tpu.wait_indirect_dma semaphore(%arg15 : memref<!tpu.dma_semaphore, #tpu.memory_space<semaphore_mem>>) src(%arg10 : memref<128x128xf32, #tpu.memory_space<vmem>>) dst(%dma_wait3A_107 : memref<10112x128xf32, #tpu.memory_space<vmem_shared>>)
      %lt3A_108 = arith.constant 19 : i32
      %lt3A_109 = arith.cmpi slt, %scan3A_62, %lt3A_108 : i32
      %convert_element_type3A_110 = arith.extui %lt3A_109 : i1 to i32
      %cond3A_111 = arith.constant 0 : i32
      %cond3A_112 = arith.cmpi ne, %convert_element_type3A_110, %cond3A_111 : i32
      scf.if %cond3A_112 {
        %add3A_113 = arith.constant 2 : i32
        %add3A_114 = arith.addi %add3A_89, %add3A_113 : i32
        %dma_start3A_115 = arith.constant 0 : i32
        %dma_start3A_116 = tpu.memref_slice %arg7[%add3A_114, %dma_start3A_115] : memref<40x128xi32, #tpu.memory_space<vmem>> -> memref<1x128xi32, #tpu.memory_space<vmem>>
        %dma_start3A_117 = tpu.memref_squeeze %dma_start3A_116 : memref<1x128xi32, #tpu.memory_space<vmem>> -> memref<128xi32, #tpu.memory_space<vmem>>
        %dma_start3A_118 = arith.constant 0 : i32
        %dma_start3A_119 = arith.constant 0 : i32
        %dma_start3A_120 = tpu.memref_slice %arg2[%dma_start3A_118, %dma_start3A_119] : memref<10000x128xf32, #tpu.memory_space<hbm>> -> memref<10000x128xf32, #tpu.memory_space<hbm>>
        tpu.enqueue_indirect_dma source(%dma_start3A_120 : memref<10000x128xf32, #tpu.memory_space<hbm>>) target(%arg10 : memref<128x128xf32, #tpu.memory_space<vmem>>) offsets(%dma_start3A_117 : memref<128xi32, #tpu.memory_space<vmem>>) semaphore(%arg13 : memref<!tpu.dma_semaphore, #tpu.memory_space<semaphore_mem>>)
      } else {
      }
    }
    %scan3A_28 = arith.constant 20 : i32
    %mul3A_29 = arith.constant 80 : i32
    %mul3A_30 = arith.muli %add3A, %mul3A_29 : i32
    %add3A_31 = arith.constant 40 : i32
    %add3A_32 = arith.addi %mul3A_30, %add3A_31 : i32
    "tpu.region"() ({
      %run_scoped3A = tpu.sem_alloc : memref<!tpu.dma_semaphore, #tpu.memory_space<semaphore_mem>>
      %dma_start3A_62 = arith.constant 0 : i32
      %dma_start3A_63 = tpu.memref_slice %arg3[%add3A_32, %dma_start3A_62] : memref<2560x128xi32, #tpu.memory_space<hbm>> -> memref<40x128xi32, #tpu.memory_space<hbm>>
      %dma_start3A_64 = arith.constant 0 : i32
      %dma_start3A_65 = tpu.memref_slice %arg3[%add3A_32, %dma_start3A_64] : memref<2560x128xi32, #tpu.memory_space<hbm>> -> memref<40x128xi32, #tpu.memory_space<hbm>>
      tpu.enqueue_dma source(%dma_start3A_65 : memref<40x128xi32, #tpu.memory_space<hbm>>) target(%arg7 : memref<40x128xi32, #tpu.memory_space<vmem>>) target_semaphore(%run_scoped3A : memref<!tpu.dma_semaphore, #tpu.memory_space<semaphore_mem>>)
      %dma_wait3A = arith.constant 0 : i32
      %dma_wait3A_66 = tpu.memref_slice %arg3[%add3A_32, %dma_wait3A] : memref<2560x128xi32, #tpu.memory_space<hbm>> -> memref<40x128xi32, #tpu.memory_space<hbm>>
      %dma_wait3A_67 = arith.constant 0 : i32
      %dma_wait3A_68 = tpu.memref_slice %arg3[%add3A_32, %dma_wait3A_67] : memref<2560x128xi32, #tpu.memory_space<hbm>> -> memref<40x128xi32, #tpu.memory_space<hbm>>
      tpu.wait_dma2 semaphore(%run_scoped3A : memref<!tpu.dma_semaphore, #tpu.memory_space<semaphore_mem>>) src(%dma_wait3A_68 : memref<40x128xi32, #tpu.memory_space<hbm>>) dst(%arg7 : memref<40x128xi32, #tpu.memory_space<vmem>>)
      tpu.yield
    }) : () -> ()
    %mul3A_33 = arith.constant 80 : i32
    %mul3A_34 = arith.muli %add3A, %mul3A_33 : i32
    %add3A_35 = arith.constant 40 : i32
    %add3A_36 = arith.addi %mul3A_34, %add3A_35 : i32
    "tpu.region"() ({
      %run_scoped3A = tpu.sem_alloc : memref<!tpu.dma_semaphore, #tpu.memory_space<semaphore_mem>>
      %dma_start3A_62 = arith.constant 0 : i32
      %dma_start3A_63 = tpu.memref_slice %arg4[%add3A_36, %dma_start3A_62] : memref<2560x128xi32, #tpu.memory_space<hbm>> -> memref<40x128xi32, #tpu.memory_space<hbm>>
      %dma_start3A_64 = arith.constant 0 : i32
      %dma_start3A_65 = tpu.memref_slice %arg4[%add3A_36, %dma_start3A_64] : memref<2560x128xi32, #tpu.memory_space<hbm>> -> memref<40x128xi32, #tpu.memory_space<hbm>>
      tpu.enqueue_dma source(%dma_start3A_65 : memref<40x128xi32, #tpu.memory_space<hbm>>) target(%arg8 : memref<40x128xi32, #tpu.memory_space<vmem>>) target_semaphore(%run_scoped3A : memref<!tpu.dma_semaphore, #tpu.memory_space<semaphore_mem>>)
      %dma_wait3A = arith.constant 0 : i32
      %dma_wait3A_66 = tpu.memref_slice %arg4[%add3A_36, %dma_wait3A] : memref<2560x128xi32, #tpu.memory_space<hbm>> -> memref<40x128xi32, #tpu.memory_space<hbm>>
      %dma_wait3A_67 = arith.constant 0 : i32
      %dma_wait3A_68 = tpu.memref_slice %arg4[%add3A_36, %dma_wait3A_67] : memref<2560x128xi32, #tpu.memory_space<hbm>> -> memref<40x128xi32, #tpu.memory_space<hbm>>
      tpu.wait_dma2 semaphore(%run_scoped3A : memref<!tpu.dma_semaphore, #tpu.memory_space<semaphore_mem>>) src(%dma_wait3A_68 : memref<40x128xi32, #tpu.memory_space<hbm>>) dst(%arg8 : memref<40x128xi32, #tpu.memory_space<vmem>>)
      tpu.yield
    }) : () -> ()
    %dma_start3A_37 = arith.constant 0 : i32
    %dma_start3A_38 = arith.constant 0 : i32
    %dma_start3A_39 = tpu.memref_slice %arg7[%dma_start3A_37, %dma_start3A_38] : memref<40x128xi32, #tpu.memory_space<vmem>> -> memref<1x128xi32, #tpu.memory_space<vmem>>
    %dma_start3A_40 = tpu.memref_squeeze %dma_start3A_39 : memref<1x128xi32, #tpu.memory_space<vmem>> -> memref<128xi32, #tpu.memory_space<vmem>>
    %dma_start3A_41 = arith.constant 0 : i32
    %dma_start3A_42 = arith.constant 0 : i32
    %dma_start3A_43 = tpu.memref_slice %arg2[%dma_start3A_41, %dma_start3A_42] : memref<10000x128xf32, #tpu.memory_space<hbm>> -> memref<10000x128xf32, #tpu.memory_space<hbm>>
    tpu.enqueue_indirect_dma source(%dma_start3A_43 : memref<10000x128xf32, #tpu.memory_space<hbm>>) target(%arg9 : memref<128x128xf32, #tpu.memory_space<vmem>>) offsets(%dma_start3A_40 : memref<128xi32, #tpu.memory_space<vmem>>) semaphore(%arg12 : memref<!tpu.dma_semaphore, #tpu.memory_space<semaphore_mem>>)
    %dma_start3A_44 = arith.constant 1 : i32
    %dma_start3A_45 = arith.constant 0 : i32
    %dma_start3A_46 = tpu.memref_slice %arg7[%dma_start3A_44, %dma_start3A_45] : memref<40x128xi32, #tpu.memory_space<vmem>> -> memref<1x128xi32, #tpu.memory_space<vmem>>
    %dma_start3A_47 = tpu.memref_squeeze %dma_start3A_46 : memref<1x128xi32, #tpu.memory_space<vmem>> -> memref<128xi32, #tpu.memory_space<vmem>>
    %dma_start3A_48 = arith.constant 0 : i32
    %dma_start3A_49 = arith.constant 0 : i32
    %dma_start3A_50 = tpu.memref_slice %arg2[%dma_start3A_48, %dma_start3A_49] : memref<10000x128xf32, #tpu.memory_space<hbm>> -> memref<10000x128xf32, #tpu.memory_space<hbm>>
    tpu.enqueue_indirect_dma source(%dma_start3A_50 : memref<10000x128xf32, #tpu.memory_space<hbm>>) target(%arg10 : memref<128x128xf32, #tpu.memory_space<vmem>>) offsets(%dma_start3A_47 : memref<128xi32, #tpu.memory_space<vmem>>) semaphore(%arg13 : memref<!tpu.dma_semaphore, #tpu.memory_space<semaphore_mem>>)
    %scan3A_51 = arith.constant 0 : i32
    %scan3A_52 = arith.constant 0 : i32
    %scan3A_53 = arith.constant 20 : i32
    %scan3A_54 = arith.addi %scan3A_52, %scan3A_53 : i32
    %scan3A_55 = arith.constant 1 : i32
    scf.for %scan3A_62 = %scan3A_52 to %scan3A_54 step %scan3A_55  : i32 {
      %mul3A_63 = arith.constant 2 : i32
      %mul3A_64 = arith.muli %scan3A_62, %mul3A_63 : i32
      %add3A_65 = arith.constant 0 : i32
      %add3A_66 = arith.addi %mul3A_64, %add3A_65 : i32
      %dma_wait3A = arith.constant 0 : i32
      %dma_wait3A_67 = tpu.memref_slice %arg7[%add3A_66, %dma_wait3A] : memref<40x128xi32, #tpu.memory_space<vmem>> -> memref<1x128xi32, #tpu.memory_space<vmem>>
      %dma_wait3A_68 = tpu.memref_squeeze %dma_wait3A_67 : memref<1x128xi32, #tpu.memory_space<vmem>> -> memref<128xi32, #tpu.memory_space<vmem>>
      %dma_wait3A_69 = arith.constant 0 : i32
      %dma_wait3A_70 = arith.constant 0 : i32
      %dma_wait3A_71 = tpu.memref_slice %arg2[%dma_wait3A_69, %dma_wait3A_70] : memref<10000x128xf32, #tpu.memory_space<hbm>> -> memref<10000x128xf32, #tpu.memory_space<hbm>>
      tpu.wait_indirect_dma semaphore(%arg12 : memref<!tpu.dma_semaphore, #tpu.memory_space<semaphore_mem>>) src(%dma_wait3A_71 : memref<10000x128xf32, #tpu.memory_space<hbm>>) dst(%arg9 : memref<128x128xf32, #tpu.memory_space<vmem>>)
      %dma_start3A_72 = arith.constant 0 : i32
      %dma_start3A_73 = tpu.memref_slice %arg8[%add3A_66, %dma_start3A_72] : memref<40x128xi32, #tpu.memory_space<vmem>> -> memref<1x128xi32, #tpu.memory_space<vmem>>
      %dma_start3A_74 = tpu.memref_squeeze %dma_start3A_73 : memref<1x128xi32, #tpu.memory_space<vmem>> -> memref<128xi32, #tpu.memory_space<vmem>>
      %dma_start3A_75 = arith.constant 0 : i32
      %dma_start3A_76 = arith.constant 0 : i32
      %dma_start3A_77 = tpu.memref_slice %arg11[%dma_start3A_75, %dma_start3A_76] : memref<10112x128xf32, #tpu.memory_space<vmem_shared>> -> memref<10112x128xf32, #tpu.memory_space<vmem_shared>>
      tpu.enqueue_indirect_dma source(%arg9 : memref<128x128xf32, #tpu.memory_space<vmem>>) target(%dma_start3A_77 : memref<10112x128xf32, #tpu.memory_space<vmem_shared>>) offsets(%dma_start3A_74 : memref<128xi32, #tpu.memory_space<vmem>>) semaphore(%arg14 : memref<!tpu.dma_semaphore, #tpu.memory_space<semaphore_mem>>) {add = true}
      %dma_wait3A_78 = arith.constant 0 : i32
      %dma_wait3A_79 = tpu.memref_slice %arg8[%add3A_66, %dma_wait3A_78] : memref<40x128xi32, #tpu.memory_space<vmem>> -> memref<1x128xi32, #tpu.memory_space<vmem>>
      %dma_wait3A_80 = tpu.memref_squeeze %dma_wait3A_79 : memref<1x128xi32, #tpu.memory_space<vmem>> -> memref<128xi32, #tpu.memory_space<vmem>>
      %dma_wait3A_81 = arith.constant 0 : i32
      %dma_wait3A_82 = arith.constant 0 : i32
      %dma_wait3A_83 = tpu.memref_slice %arg11[%dma_wait3A_81, %dma_wait3A_82] : memref<10112x128xf32, #tpu.memory_space<vmem_shared>> -> memref<10112x128xf32, #tpu.memory_space<vmem_shared>>
      tpu.wait_indirect_dma semaphore(%arg14 : memref<!tpu.dma_semaphore, #tpu.memory_space<semaphore_mem>>) src(%arg9 : memref<128x128xf32, #tpu.memory_space<vmem>>) dst(%dma_wait3A_83 : memref<10112x128xf32, #tpu.memory_space<vmem_shared>>)
      %lt3A = arith.constant 19 : i32
      %lt3A_84 = arith.cmpi slt, %scan3A_62, %lt3A : i32
      %convert_element_type3A = arith.extui %lt3A_84 : i1 to i32
      %cond3A = arith.constant 0 : i32
      %cond3A_85 = arith.cmpi ne, %convert_element_type3A, %cond3A : i32
      scf.if %cond3A_85 {
        %add3A_113 = arith.constant 2 : i32
        %add3A_114 = arith.addi %add3A_66, %add3A_113 : i32
        %dma_start3A_115 = arith.constant 0 : i32
        %dma_start3A_116 = tpu.memref_slice %arg7[%add3A_114, %dma_start3A_115] : memref<40x128xi32, #tpu.memory_space<vmem>> -> memref<1x128xi32, #tpu.memory_space<vmem>>
        %dma_start3A_117 = tpu.memref_squeeze %dma_start3A_116 : memref<1x128xi32, #tpu.memory_space<vmem>> -> memref<128xi32, #tpu.memory_space<vmem>>
        %dma_start3A_118 = arith.constant 0 : i32
        %dma_start3A_119 = arith.constant 0 : i32
        %dma_start3A_120 = tpu.memref_slice %arg2[%dma_start3A_118, %dma_start3A_119] : memref<10000x128xf32, #tpu.memory_space<hbm>> -> memref<10000x128xf32, #tpu.memory_space<hbm>>
        tpu.enqueue_indirect_dma source(%dma_start3A_120 : memref<10000x128xf32, #tpu.memory_space<hbm>>) target(%arg9 : memref<128x128xf32, #tpu.memory_space<vmem>>) offsets(%dma_start3A_117 : memref<128xi32, #tpu.memory_space<vmem>>) semaphore(%arg12 : memref<!tpu.dma_semaphore, #tpu.memory_space<semaphore_mem>>)
      } else {
      }
      %mul3A_86 = arith.constant 2 : i32
      %mul3A_87 = arith.muli %scan3A_62, %mul3A_86 : i32
      %add3A_88 = arith.constant 1 : i32
      %add3A_89 = arith.addi %mul3A_87, %add3A_88 : i32
      %dma_wait3A_90 = arith.constant 0 : i32
      %dma_wait3A_91 = tpu.memref_slice %arg7[%add3A_89, %dma_wait3A_90] : memref<40x128xi32, #tpu.memory_space<vmem>> -> memref<1x128xi32, #tpu.memory_space<vmem>>
      %dma_wait3A_92 = tpu.memref_squeeze %dma_wait3A_91 : memref<1x128xi32, #tpu.memory_space<vmem>> -> memref<128xi32, #tpu.memory_space<vmem>>
      %dma_wait3A_93 = arith.constant 0 : i32
      %dma_wait3A_94 = arith.constant 0 : i32
      %dma_wait3A_95 = tpu.memref_slice %arg2[%dma_wait3A_93, %dma_wait3A_94] : memref<10000x128xf32, #tpu.memory_space<hbm>> -> memref<10000x128xf32, #tpu.memory_space<hbm>>
      tpu.wait_indirect_dma semaphore(%arg13 : memref<!tpu.dma_semaphore, #tpu.memory_space<semaphore_mem>>) src(%dma_wait3A_95 : memref<10000x128xf32, #tpu.memory_space<hbm>>) dst(%arg10 : memref<128x128xf32, #tpu.memory_space<vmem>>)
      %dma_start3A_96 = arith.constant 0 : i32
      %dma_start3A_97 = tpu.memref_slice %arg8[%add3A_89, %dma_start3A_96] : memref<40x128xi32, #tpu.memory_space<vmem>> -> memref<1x128xi32, #tpu.memory_space<vmem>>
      %dma_start3A_98 = tpu.memref_squeeze %dma_start3A_97 : memref<1x128xi32, #tpu.memory_space<vmem>> -> memref<128xi32, #tpu.memory_space<vmem>>
      %dma_start3A_99 = arith.constant 0 : i32
      %dma_start3A_100 = arith.constant 0 : i32
      %dma_start3A_101 = tpu.memref_slice %arg11[%dma_start3A_99, %dma_start3A_100] : memref<10112x128xf32, #tpu.memory_space<vmem_shared>> -> memref<10112x128xf32, #tpu.memory_space<vmem_shared>>
      tpu.enqueue_indirect_dma source(%arg10 : memref<128x128xf32, #tpu.memory_space<vmem>>) target(%dma_start3A_101 : memref<10112x128xf32, #tpu.memory_space<vmem_shared>>) offsets(%dma_start3A_98 : memref<128xi32, #tpu.memory_space<vmem>>) semaphore(%arg15 : memref<!tpu.dma_semaphore, #tpu.memory_space<semaphore_mem>>) {add = true}
      %dma_wait3A_102 = arith.constant 0 : i32
      %dma_wait3A_103 = tpu.memref_slice %arg8[%add3A_89, %dma_wait3A_102] : memref<40x128xi32, #tpu.memory_space<vmem>> -> memref<1x128xi32, #tpu.memory_space<vmem>>
      %dma_wait3A_104 = tpu.memref_squeeze %dma_wait3A_103 : memref<1x128xi32, #tpu.memory_space<vmem>> -> memref<128xi32, #tpu.memory_space<vmem>>
      %dma_wait3A_105 = arith.constant 0 : i32
      %dma_wait3A_106 = arith.constant 0 : i32
      %dma_wait3A_107 = tpu.memref_slice %arg11[%dma_wait3A_105, %dma_wait3A_106] : memref<10112x128xf32, #tpu.memory_space<vmem_shared>> -> memref<10112x128xf32, #tpu.memory_space<vmem_shared>>
      tpu.wait_indirect_dma semaphore(%arg15 : memref<!tpu.dma_semaphore, #tpu.memory_space<semaphore_mem>>) src(%arg10 : memref<128x128xf32, #tpu.memory_space<vmem>>) dst(%dma_wait3A_107 : memref<10112x128xf32, #tpu.memory_space<vmem_shared>>)
      %lt3A_108 = arith.constant 19 : i32
      %lt3A_109 = arith.cmpi slt, %scan3A_62, %lt3A_108 : i32
      %convert_element_type3A_110 = arith.extui %lt3A_109 : i1 to i32
      %cond3A_111 = arith.constant 0 : i32
      %cond3A_112 = arith.cmpi ne, %convert_element_type3A_110, %cond3A_111 : i32
      scf.if %cond3A_112 {
        %add3A_113 = arith.constant 2 : i32
        %add3A_114 = arith.addi %add3A_89, %add3A_113 : i32
        %dma_start3A_115 = arith.constant 0 : i32
        %dma_start3A_116 = tpu.memref_slice %arg7[%add3A_114, %dma_start3A_115] : memref<40x128xi32, #tpu.memory_space<vmem>> -> memref<1x128xi32, #tpu.memory_space<vmem>>
        %dma_start3A_117 = tpu.memref_squeeze %dma_start3A_116 : memref<1x128xi32, #tpu.memory_space<vmem>> -> memref<128xi32, #tpu.memory_space<vmem>>
        %dma_start3A_118 = arith.constant 0 : i32
        %dma_start3A_119 = arith.constant 0 : i32
        %dma_start3A_120 = tpu.memref_slice %arg2[%dma_start3A_118, %dma_start3A_119] : memref<10000x128xf32, #tpu.memory_space<hbm>> -> memref<10000x128xf32, #tpu.memory_space<hbm>>
        tpu.enqueue_indirect_dma source(%dma_start3A_120 : memref<10000x128xf32, #tpu.memory_space<hbm>>) target(%arg10 : memref<128x128xf32, #tpu.memory_space<vmem>>) offsets(%dma_start3A_117 : memref<128xi32, #tpu.memory_space<vmem>>) semaphore(%arg13 : memref<!tpu.dma_semaphore, #tpu.memory_space<semaphore_mem>>)
      } else {
      }
    }
    %scan3A_56 = arith.constant 20 : i32
    %barrier3A_57 = arith.constant 0 : index
    tpu.barrier barrier_id(%barrier3A_57)
    %mul3A_58 = arith.constant 632 : i32
    %mul3A_59 = arith.muli %arg1, %mul3A_58 : i32
    %mul3A_60 = arith.constant 632 : i32
    %mul3A_61 = arith.muli %arg1, %mul3A_60 : i32
    "tpu.region"() ({
      %run_scoped3A = tpu.sem_alloc : memref<!tpu.dma_semaphore, #tpu.memory_space<semaphore_mem>>
      %dma_start3A_62 = arith.constant 0 : i32
      %dma_start3A_63 = arith.constant 0 : i32
      %dma_start3A_64 = tpu.memref_slice %arg6[%arg0, %dma_start3A_62, %dma_start3A_63] : memref<2x10112x128xf32, #tpu.memory_space<hbm>> -> memref<1x10112x128xf32, #tpu.memory_space<hbm>>
      %dma_start3A_65 = tpu.memref_squeeze %dma_start3A_64 : memref<1x10112x128xf32, #tpu.memory_space<hbm>> -> memref<10112x128xf32, #tpu.memory_space<hbm>>
      %dma_start3A_66 = arith.constant 0 : i32
      %dma_start3A_67 = tpu.memref_slice %dma_start3A_65[%mul3A_61, %dma_start3A_66] : memref<10112x128xf32, #tpu.memory_space<hbm>> -> memref<632x128xf32, #tpu.memory_space<hbm>>
      %dma_start3A_68 = arith.constant 0 : i32
      %dma_start3A_69 = tpu.memref_slice %arg11[%mul3A_59, %dma_start3A_68] : memref<10112x128xf32, #tpu.memory_space<vmem_shared>> -> memref<632x128xf32, #tpu.memory_space<vmem_shared>>
      tpu.enqueue_dma source(%dma_start3A_69 : memref<632x128xf32, #tpu.memory_space<vmem_shared>>) target(%dma_start3A_67 : memref<632x128xf32, #tpu.memory_space<hbm>>) target_semaphore(%run_scoped3A : memref<!tpu.dma_semaphore, #tpu.memory_space<semaphore_mem>>)
      %dma_wait3A = arith.constant 0 : i32
      %dma_wait3A_70 = arith.constant 0 : i32
      %dma_wait3A_71 = tpu.memref_slice %arg6[%arg0, %dma_wait3A, %dma_wait3A_70] : memref<2x10112x128xf32, #tpu.memory_space<hbm>> -> memref<1x10112x128xf32, #tpu.memory_space<hbm>>
      %dma_wait3A_72 = tpu.memref_squeeze %dma_wait3A_71 : memref<1x10112x128xf32, #tpu.memory_space<hbm>> -> memref<10112x128xf32, #tpu.memory_space<hbm>>
      %dma_wait3A_73 = arith.constant 0 : i32
      %dma_wait3A_74 = tpu.memref_slice %dma_wait3A_72[%mul3A_61, %dma_wait3A_73] : memref<10112x128xf32, #tpu.memory_space<hbm>> -> memref<632x128xf32, #tpu.memory_space<hbm>>
      %dma_wait3A_75 = arith.constant 0 : i32
      %dma_wait3A_76 = tpu.memref_slice %arg11[%mul3A_59, %dma_wait3A_75] : memref<10112x128xf32, #tpu.memory_space<vmem_shared>> -> memref<632x128xf32, #tpu.memory_space<vmem_shared>>
      tpu.wait_dma2 semaphore(%run_scoped3A : memref<!tpu.dma_semaphore, #tpu.memory_space<semaphore_mem>>) src(%dma_wait3A_76 : memref<632x128xf32, #tpu.memory_space<vmem_shared>>) dst(%dma_wait3A_74 : memref<632x128xf32, #tpu.memory_space<hbm>>)
      tpu.yield
    }) : () -> ()
    return
  }
}

module attributes {stable_mosaic.version = 14 : i64} {
  func.func @_l1_body(%arg0: i32, %arg1: memref<2000x128xf32, #tpu.memory_space<vmem>>, %arg2: memref<2x2000x128xf32, #tpu.memory_space<vmem>>, %arg3: memref<128x128xf32, #tpu.memory_space<vmem>>, %arg4: memref<1x128xf32, #tpu.memory_space<vmem>>, %arg5: memref<128x64xf32, #tpu.memory_space<vmem>>, %arg6: memref<2000x128xf32, #tpu.memory_space<vmem>>) attributes {dimension_semantics = [#tpu.dimension_semantics<arbitrary>], iteration_bounds = array<i64: 5>, scalar_prefetch = 0 : i64, scratch_operands = 0 : i64, tpu.core_type = #tpu.core_type<tc>, window_params = [{transform_indices = @transform_0, window_bounds = array<i64: 2000, 128>}, {transform_indices = @transform_1, window_bounds = array<i64: 2, 2000, 128>}, {pipeline_mode = #tpu.pipeline_mode<synchronous>, transform_indices = @transform_2, window_bounds = array<i64: 128, 128>}, {pipeline_mode = #tpu.pipeline_mode<synchronous>, transform_indices = @transform_3, window_bounds = array<i64: 1, 128>}, {pipeline_mode = #tpu.pipeline_mode<synchronous>, transform_indices = @transform_4, window_bounds = array<i64: 128, 64>}, {transform_indices = @transform_5, window_bounds = array<i64: 2000, 128>}]} {
    %get3A = arith.constant 0 : index
    %get3A_0 = arith.constant 0 : index
    %get3A_1 = vector.load %arg1[%get3A, %get3A_0] : memref<2000x128xf32, #tpu.memory_space<vmem>>, vector<2000x128xf32>
    %get3A_2 = arith.constant 0 : index
    %get3A_3 = arith.constant 0 : index
    %get3A_4 = arith.constant 0 : index
    %get3A_5 = vector.load %arg2[%get3A_2, %get3A_3, %get3A_4] : memref<2x2000x128xf32, #tpu.memory_space<vmem>>, vector<1x2000x128xf32>
    %get3A_6 = vector.shape_cast %get3A_5 : vector<1x2000x128xf32> to vector<2000x128xf32>
    %add3A = arith.addf %get3A_1, %get3A_6 : vector<2000x128xf32>
    %get3A_7 = arith.constant 1 : index
    %get3A_8 = arith.constant 0 : index
    %get3A_9 = arith.constant 0 : index
    %get3A_10 = vector.load %arg2[%get3A_7, %get3A_8, %get3A_9] : memref<2x2000x128xf32, #tpu.memory_space<vmem>>, vector<1x2000x128xf32>
    %get3A_11 = vector.shape_cast %get3A_10 : vector<1x2000x128xf32> to vector<2000x128xf32>
    %add3A_12 = arith.addf %add3A, %get3A_11 : vector<2000x128xf32>
    %get3A_13 = arith.constant 0 : index
    %get3A_14 = arith.constant 0 : index
    %get3A_15 = vector.load %arg3[%get3A_13, %get3A_14] : memref<128x128xf32, #tpu.memory_space<vmem>>, vector<128x128xf32>
    %dot_general3A = arith.constant dense<0.000000e+00> : vector<2000x128xf32>
    %dot_general3A_16 = tpu.matmul %add3A_12, %get3A_15, %dot_general3A {dimension_numbers = #tpu.dot_dimension_numbers<[1], [0], [0], [1], [0, 0, 1, 1], [], []>, transpose_lhs_hint = false} : vector<2000x128xf32>, vector<128x128xf32>, vector<2000x128xf32> -> vector<2000x128xf32>
    %get3A_17 = arith.constant 0 : index
    %get3A_18 = arith.constant 0 : index
    %get3A_19 = vector.load %arg4[%get3A_17, %get3A_18] : memref<1x128xf32, #tpu.memory_space<vmem>>, vector<1x128xf32>
    %add3A_20 = vector.broadcast %get3A_19 : vector<1x128xf32> to vector<2000x128xf32>
    %add3A_21 = arith.addf %dot_general3A_16, %add3A_20 : vector<2000x128xf32>
    %max3A = arith.constant 0.000000e+00 : f32
    %max3A_22 = vector.broadcast %max3A : f32 to vector<2000x128xf32>
    %max3A_23 = arith.maximumf %add3A_21, %max3A_22 : vector<2000x128xf32>
    %get3A_24 = arith.constant 0 : index
    %get3A_25 = arith.constant 0 : index
    %get3A_26 = vector.load %arg5[%get3A_24, %get3A_25] : memref<128x64xf32, #tpu.memory_space<vmem>>, vector<128x64xf32>
    %dot_general3A_27 = arith.constant dense<0.000000e+00> : vector<2000x64xf32>
    %dot_general3A_28 = tpu.matmul %max3A_23, %get3A_26, %dot_general3A_27 {dimension_numbers = #tpu.dot_dimension_numbers<[1], [0], [0], [1], [0, 0, 1, 1], [], []>, transpose_lhs_hint = false} : vector<2000x128xf32>, vector<128x64xf32>, vector<2000x64xf32> -> vector<2000x64xf32>
    %broadcast_in_dim3A = arith.constant 0.000000e+00 : f32
    %broadcast_in_dim3A_29 = vector.broadcast %broadcast_in_dim3A : f32 to vector<2000x64xf32>
    %concatenate3A = tpu.concatenate %dot_general3A_28, %broadcast_in_dim3A_29 in 1 : vector<2000x64xf32>, vector<2000x64xf32> -> vector<2000x128xf32>
    %swap3A = arith.constant 0 : index
    %swap3A_30 = arith.constant 0 : index
    %swap3A_31 = vector.load %arg6[%swap3A, %swap3A_30] : memref<2000x128xf32, #tpu.memory_space<vmem>>, vector<2000x128xf32>
    tpu.vector_store %arg6[%swap3A, %swap3A_30], %concatenate3A {strides = array<i32>} : memref<2000x128xf32, #tpu.memory_space<vmem>>, vector<2000x128xf32>,
    return
  }
  func.func @transform_0(%arg0: i32) -> (i32, i32) {
    %c0_i32 = arith.constant 0 : i32
    %c0_i32_0 = arith.constant 0 : i32
    return %arg0, %c0_i32 : i32, i32
  }
  func.func @transform_1(%arg0: i32) -> (i32, i32, i32) {
    %c0_i32 = arith.constant 0 : i32
    %c0_i32_0 = arith.constant 0 : i32
    %c0_i32_1 = arith.constant 0 : i32
    return %c0_i32, %arg0, %c0_i32_0 : i32, i32, i32
  }
  func.func @transform_2(%arg0: i32) -> (i32, i32) {
    %c0_i32 = arith.constant 0 : i32
    %c0_i32_0 = arith.constant 0 : i32
    %c0_i32_1 = arith.constant 0 : i32
    return %c0_i32, %c0_i32_0 : i32, i32
  }
  func.func @transform_3(%arg0: i32) -> (i32, i32) {
    %c0_i32 = arith.constant 0 : i32
    %c0_i32_0 = arith.constant 0 : i32
    %c0_i32_1 = arith.constant 0 : i32
    return %c0_i32, %c0_i32_0 : i32, i32
  }
  func.func @transform_4(%arg0: i32) -> (i32, i32) {
    %c0_i32 = arith.constant 0 : i32
    %c0_i32_0 = arith.constant 0 : i32
    %c0_i32_1 = arith.constant 0 : i32
    return %c0_i32, %c0_i32_0 : i32, i32
  }
  func.func @transform_5(%arg0: i32) -> (i32, i32) {
    %c0_i32 = arith.constant 0 : i32
    %c0_i32_0 = arith.constant 0 : i32
    return %arg0, %c0_i32 : i32, i32
  }
}

module attributes {stable_mosaic.version = 14 : i64} {
  func.func @_l2_body(%arg0: i32, %arg1: memref<2000x128xf32, #tpu.memory_space<vmem>>, %arg2: memref<2x2000x128xf32, #tpu.memory_space<vmem>>, %arg3: memref<1x64xf32, #tpu.memory_space<vmem>>, %arg4: memref<2000x64xf32, #tpu.memory_space<vmem>>) attributes {dimension_semantics = [#tpu.dimension_semantics<arbitrary>], iteration_bounds = array<i64: 5>, scalar_prefetch = 0 : i64, scratch_operands = 0 : i64, tpu.core_type = #tpu.core_type<tc>, window_params = [{transform_indices = @transform_0, window_bounds = array<i64: 2000, 128>}, {transform_indices = @transform_1, window_bounds = array<i64: 2, 2000, 128>}, {pipeline_mode = #tpu.pipeline_mode<synchronous>, transform_indices = @transform_2, window_bounds = array<i64: 1, 64>}, {transform_indices = @transform_3, window_bounds = array<i64: 2000, 64>}]} {
    %get3A = arith.constant 0 : index
    %get3A_0 = arith.constant 0 : index
    %get3A_1 = vector.load %arg1[%get3A, %get3A_0] : memref<2000x128xf32, #tpu.memory_space<vmem>>, vector<2000x64xf32>
    %get3A_2 = arith.constant 0 : index
    %get3A_3 = arith.constant 0 : index
    %get3A_4 = arith.constant 0 : index
    %get3A_5 = vector.load %arg2[%get3A_2, %get3A_3, %get3A_4] : memref<2x2000x128xf32, #tpu.memory_space<vmem>>, vector<1x2000x64xf32>
    %get3A_6 = vector.shape_cast %get3A_5 : vector<1x2000x64xf32> to vector<2000x64xf32>
    %add3A = arith.addf %get3A_1, %get3A_6 : vector<2000x64xf32>
    %get3A_7 = arith.constant 1 : index
    %get3A_8 = arith.constant 0 : index
    %get3A_9 = arith.constant 0 : index
    %get3A_10 = vector.load %arg2[%get3A_7, %get3A_8, %get3A_9] : memref<2x2000x128xf32, #tpu.memory_space<vmem>>, vector<1x2000x64xf32>
    %get3A_11 = vector.shape_cast %get3A_10 : vector<1x2000x64xf32> to vector<2000x64xf32>
    %add3A_12 = arith.addf %add3A, %get3A_11 : vector<2000x64xf32>
    %get3A_13 = arith.constant 0 : index
    %get3A_14 = arith.constant 0 : index
    %get3A_15 = vector.load %arg3[%get3A_13, %get3A_14] : memref<1x64xf32, #tpu.memory_space<vmem>>, vector<1x64xf32>
    %add3A_16 = vector.broadcast %get3A_15 : vector<1x64xf32> to vector<2000x64xf32>
    %add3A_17 = arith.addf %add3A_12, %add3A_16 : vector<2000x64xf32>
    %swap3A = arith.constant 0 : index
    %swap3A_18 = arith.constant 0 : index
    %swap3A_19 = vector.load %arg4[%swap3A, %swap3A_18] : memref<2000x64xf32, #tpu.memory_space<vmem>>, vector<2000x64xf32>
    tpu.vector_store %arg4[%swap3A, %swap3A_18], %add3A_17 {strides = array<i32>} : memref<2000x64xf32, #tpu.memory_space<vmem>>, vector<2000x64xf32>,
    return
  }
  func.func @transform_0(%arg0: i32) -> (i32, i32) {
    %c0_i32 = arith.constant 0 : i32
    %c0_i32_0 = arith.constant 0 : i32
    return %arg0, %c0_i32 : i32, i32
  }
  func.func @transform_1(%arg0: i32) -> (i32, i32, i32) {
    %c0_i32 = arith.constant 0 : i32
    %c0_i32_0 = arith.constant 0 : i32
    %c0_i32_1 = arith.constant 0 : i32
    return %c0_i32, %arg0, %c0_i32_0 : i32, i32, i32
  }
  func.func @transform_2(%arg0: i32) -> (i32, i32) {
    %c0_i32 = arith.constant 0 : i32
    %c0_i32_0 = arith.constant 0 : i32
    %c0_i32_1 = arith.constant 0 : i32
    return %c0_i32, %c0_i32_0 : i32, i32
  }
  func.func @transform_3(%arg0: i32) -> (i32, i32) {
    %c0_i32 = arith.constant 0 : i32
    %c0_i32_0 = arith.constant 0 : i32
    return %arg0, %c0_i32 : i32, i32
  }
}

</mosaic_0001>

<sc_bundles>
// kernel: kernel.6.cloned.1.call-start
scs
__scs_entry_jumppad:
0x0: {  	(pc) =	sbr.rel $0x88, $3  }
0x1: {  	(tag) =	ssettag $0x0;
	lr =	simm.s32 $0x1  }
0x2: {  	[smem:$0x3F9B] =	sst lr;
	_ =	strace $0xD0000000  }
0x3: {  	_ = 	snop  }
0x4: {  	_ = 	snop  }
0x5: {  	_ = 	snop  }
0x6: {  	_ = 	snop  }
0x7: {  	_ = 	snop  }
__scs_overlays_trampoline_lowered:
0x8: {  	[smem:$0x3FAA] =	sst s0  }
0x9: {  	[smem:$0x3FAB] =	sst s1  }
0xa: {  	[smem:$0x3FAC] =	sst s2  }
0xb: {  	[smem:$0x3FAD] =	sst s3  }
0xc: {  	[smem:$0x3FAE] =	sst s4  }
0xd: {  	[smem:$0x3FAF] =	sst s5  }
0xe: {  	[smem:$0x3FB0] =	sst s6  }
0xf: {  	[smem:$0x3FB1] =	sst s7  }
0x10: {  	[smem:$0x3FB2] =	sst s8  }
0x11: {  	[smem:$0x3FB3] =	sst s9;
	s0 =	simm.s32 @!p0 $0x0  }
0x12: {  	s1 =	sld [smem:$0x3F99];
	s0 =	simm.s32 @p0 $0x1  }
0x13: {  	[smem:$0x3FB4] =	sst s0;
	s0 =	simm.s32 @!p1 $0x0  }
0x14: {  	s2 =	sld [smem:$0x3F98];
	s0 =	simm.s32 @p1 $0x1  }
0x15: {  	[smem:$0x3FB5] =	sst s0;
	s0 =	simm.s32 @!p2 $0x0  }
0x16: {  	s3 =	sld [smem:$0x3FDB];
	s0 =	simm.s32 @p2 $0x1  }
0x17: {  	s4 =	simm.s32 $0x1BF5;
	[smem:$0x3FB7] =	sst s0  }
0x18: {  	s0 =	sld [smem:$0x3F9A];
	_ =	swait.ge [sflag:s4], $0x0  }
0x19: {  	s7 =	sld [smem:$0x3F9B]  }
0x1a: {  	s8 =	sadd.s32 $0xFFFFE003, lr  }
0x1b: {  	s9 =	sadd.s32 $0xFFFFFEF7, lr;
	s5 =	simm.s32 $0xFFFFFFFF;
	p2 =	slt.u32 s8, $0xFFFFF086  }
0x1c: {  	p1 =	slt.u32 s9, $0xF7A;
	s5 =	simm.s32 @!p2 $0x0  }
0x1d: {  	s5 =	simm.s32 @p1 $0x1;
	p0 =	seq.s32 s7, s2  }
0x1e: {  	s7 =	smul.u32 @!p0 $0xF7A, s2;
	p2 =	seq.s32 @!p0 s5, $0x0  }
0x1f: {  	s9 =	smul.u32 $0xF7A, s1;
	s8 =	simm.s32 @!p0 $0x1BF5;
	p2 =	por !p2, p0  }
0x20: {  	[sflag:s8] =	ssyncset.s32 @!p0 $0xFFFFF086;
	s6 =	sadd.s32 @!p0 s3, s7;
	s7 =	simm.s32 @!p0 $0x108  }
0x21: {  	s3 =	sadd.s32 s3, s9;
	s6 =	sadd.s32 @!p0 $0x88, s6;
	s7 =	simm.s32 @p2 $0x1082  }
0x22: {  	[simem:s7], [sflag:s8] =	dma.local @!p0 [hbm:s6], $0xF7A  }
0x23: {  	s9 =	sor.u32 $0xD0000000, s2;
	s6 =	simm.s32 $0x108;
	_ =	swait.ge @!p0 [sflag:s8], $0x0  }
0x24: {  	s3 =	sadd.s32 $0x88, s3;
	s6 =	simm.s32 @!p1 $0x1082;
	[sflag:s4] =	ssyncset.s32 $0xFFFFF086  }
0x25: {  	[simem:s6], [sflag:s4] =	dma.local [hbm:s3], $0xF7A  }
0x26: {  	[smem:$0x3F9B] =	sst s1;
	(tag) =	ssettag s2;
	_ =	strace s9  }
0x27: {  	s1 =	sld [smem:$0x3FAB]  }
0x28: {  	s2 =	sld [smem:$0x3FAC]  }
0x29: {  	s4 =	sld [smem:$0x3FAE]  }
0x2a: {  	p0 =	seq.s32 s5, $0x0;
	s5 =	sld [smem:$0x3FAF]  }
0x2b: {  	s6 =	sld [smem:$0x3FB0]  }
0x2c: {  	s7 =	sld [smem:$0x3FB1]  }
0x2d: {  	s3 =	simm.s32 $0x108;
	s8 =	sld [smem:$0x3FB2]  }
0x2e: {  	s3 =	simm.s32 @!p0 $0x1082;
	s9 =	sld [smem:$0x3FB3]  }
0x2f: {  	lr =	sadd.s32 s0, s3;
	s0 =	sld [smem:$0x3FAA]  }
0x30: {  	s3 =	sld [smem:$0x3FAD]  }
0x31: {  	[smem:$0x3FB6] =	sst s10  }
0x32: {  	s10 =	sld [smem:$0x3FB4];
	_ =	sdelay $0x3  }
0x33: {  	p0 =	seq.s32 s10, $0x1;
	s10 =	sld [smem:$0x3FB6];
	_ =	sdelay $0x3  }
0x34: {  	[smem:$0x3FB6] =	sst s10  }
0x35: {  	s10 =	sld [smem:$0x3FB5];
	_ =	sdelay $0x3  }
0x36: {  	p1 =	seq.s32 s10, $0x1;
	s10 =	sld [smem:$0x3FB6];
	_ =	sdelay $0x3  }
0x37: {  	[smem:$0x3FB6] =	sst s10  }
0x38: {  	s10 =	sld [smem:$0x3FB7]  }
0x39: {  	_ = 	snop;
	(pc) =	sbr.ind lr, $3  }
0x3a: {  	_ = 	snop  }
0x3b: {  	_ = 	snop  }
0x3c: {  	p2 =	seq.s32 s10, $0x1;
	s10 =	sld [smem:$0x3FB6]  }
0x3d: {  	_ =	shalt  }
0x3e: {  	_ =	shalt  }
0x3f: {  	_ =	shalt  }
0x40: {  	_ =	shalt  }
0x41: {  	_ =	shalt  }
0x42: {  	_ =	shalt  }
0x43: {  	_ =	shalt  }
0x44: {  	_ =	shalt  }
0x45: {  	_ =	shalt  }
0x46: {  	_ =	shalt  }
0x47: {  	_ =	shalt  }
0x48: {  	_ =	shalt  }
0x49: {  	_ =	shalt  }
0x4a: {  	_ =	shalt  }
0x4b: {  	_ =	shalt  }
0x4c: {  	_ =	shalt  }
0x4d: {  	_ =	shalt  }
0x4e: {  	_ =	shalt  }
0x4f: {  	_ =	shalt  }
0x50: {  	_ =	shalt  }
0x51: {  	_ =	shalt  }
0x52: {  	_ =	shalt  }
0x53: {  	_ =	shalt  }
0x54: {  	_ =	shalt  }
0x55: {  	_ =	shalt  }
0x56: {  	_ =	shalt  }
0x57: {  	_ =	shalt  }
0x58: {  	_ =	shalt  }
0x59: {  	_ =	shalt  }
0x5a: {  	_ =	shalt  }
0x5b: {  	_ =	shalt  }
0x5c: {  	_ =	shalt  }
0x5d: {  	_ =	shalt  }
0x5e: {  	_ =	shalt  }
0x5f: {  	_ =	shalt  }
0x60: {  	_ =	shalt  }
0x61: {  	_ =	shalt  }
0x62: {  	_ =	shalt  }
0x63: {  	_ =	shalt  }
0x64: {  	_ =	shalt  }
0x65: {  	_ =	shalt  }
0x66: {  	_ =	shalt  }
0x67: {  	_ =	shalt  }
0x68: {  	_ =	shalt  }
0x69: {  	_ =	shalt  }
0x6a: {  	_ =	shalt  }
0x6b: {  	_ =	shalt  }
0x6c: {  	_ =	shalt  }
0x6d: {  	_ =	shalt  }
0x6e: {  	_ =	shalt  }
0x6f: {  	_ =	shalt  }
0x70: {  	_ =	shalt  }
0x71: {  	_ =	shalt  }
0x72: {  	_ =	shalt  }
0x73: {  	_ =	shalt  }
0x74: {  	_ =	shalt  }
0x75: {  	_ =	shalt  }
0x76: {  	_ =	shalt  }
0x77: {  	_ =	shalt  }
0x78: {  	_ =	shalt  }
0x79: {  	_ =	shalt  }
0x7a: {  	_ =	shalt  }
0x7b: {  	_ =	shalt  }
0x7c: {  	_ =	shalt  }
0x7d: {  	_ =	shalt  }
0x7e: {  	_ =	shalt  }
0x7f: {  	_ =	shalt  }
0x80: {  	_ =	shalt  }
0x81: {  	_ =	shalt  }
0x82: {  	_ =	shalt  }
0x83: {  	_ =	shalt  }
0x84: {  	_ =	shalt  }
0x85: {  	_ =	shalt  }
0x86: {  	_ =	shalt  }
0x87: {  	_ =	shalt  }
.Lfunc_end0:
.L_simem_size_0:
called_computation_lowered:
.L_overlay_start_0:
0x88: {  	s2 =	sld [smem:$0x3FD9]  }
0x89: {  	s3 =	sld [smem:$0x3FFE];
	_ =	sdelay $0x1  }
0x8a: {  	s1 =	srdreg.scid  }
0x8b: {  	s0 =	sand.u32 $0x1, s1  }
0x8c: {  	s17 =	sshll.u32 s0, $0xA;
	s2 =	sadd.s32 s3, s2  }
0x8d: {  	s2 =	sadd.s32 s2, s17  }
0x8e: {  	[smem:$0x3FC2] =	sst s2  }
0x8f: {  	_ = 	snop  }
0x90: {  	s2 =	sld [smem:$0x3FC9]  }
0x91: {  	s18 =	sld [smem:$0x3FD0];
	(tm) =	ssettm $0x1  }
0x92: {  	s4 =	sld [smem:$0x3FFB];
	_ =	sdelay $0x3  }
0x93: {  	_ =	strace s4  }
0x94: {  	s4 =	sld [smem:$0x3FFC];
	_ =	sdelay $0x3  }
0x95: {  	_ =	strace s4  }
0x96: {  	s4 =	sld [smem:$0x3FFD];
	_ =	sdelay $0x3  }
0x97: {  	_ =	strace s4  }
0x98: {  	_ =	strace $0x8FFFFFFF  }
0x99: {  	s19 =	sld [smem:$0x3FDB];
	_ =	sdelay $0x1  }
0x9a: {  	s5 =	simm.s32 $_scs_section_size  }
0x9b: {  	s6 =	simm.s32 $_size__tile_overlayer_lowered;
	s7 =	simm.s32 $_tile_overlayer_lowered  }
0x9c: {  	s22 =	simm.s32 $0x1BFF;
	s21 =	sshll.u32 s7, $0x1;
	s4 =	sadd.s32 s5, s19  }
0x9d: {  	s8 =	simm.s32 $0x0;
	s20 =	sshll.u32 s6, $0x1;
	s6 =	sadd.s32 s21, s4  }
0x9e: {  	[timem:s8], [sflag:s22] =	dma.local [hbm:s6], s20  }
0x9f: {  	_ =	swait.ge [sflag:s22], s20  }
0xa0: {  	s5 =	ssub.s32 $0x0, s20;
	[sflag:s22] =	ssyncset.done $0x0  }
0xa1: {  	[sflag:s22] =	ssyncadd.s32 s5;
	_ =	sdelay $0x1  }
0xa2: {  	s23 =	simm.s32 $0x1B8B  }
0xa3: {  	_ =	swait.ge [sflag:s23], $0x1  }
0xa4: {  	[sflag:s23] =	ssyncset.done $0x0  }
0xa5: {  	s25 =	simm.s32 $0x1B8E;
	s24 =	sld [smem:$0x3FFE];
	[sflag:s23] =	ssyncadd.s32 $0xFFFFFFFF  }
0xa6: {  	s26 =	simm.s32 $execute0_lowered;
	[smem:$0x3FD2] =	sst s25  }
0xa7: {  	s6 =	sshll.u32 s26, $0x1;
	_ =	strace $0x80000046;
	[dreg:$0x1] =	wrdreg $0xFFFFFFFF  }
0xa8: {  	s28 =	simm.s32 $_size_execute0_lowered;
	s4 =	sadd.s32 s4, s6;
	[dreg:$0x0] =	wrdreg $0x0  }
0xa9: {  	s6 =	sshll.u32 s28, $0x1;
	[dreg:$0x2] =	wrdreg s4  }
0xaa: {  	[dreg:$0x3] =	wrdreg s6  }
0xab: {  	[dreg:$0x4] =	wrdreg $0xC0  }
0xac: {  	_ =	task [dreg:s8], $0x5FFFF  }
0xad: {  	[dreg:$0x1] =	wrdreg $0xFFFFFFFF  }
0xae: {  	[dreg:$0x0] =	wrdreg $0x60  }
0xaf: {  	[dreg:$0x2] =	wrdreg s2  }
0xb0: {  	[dreg:$0x3] =	wrdreg s18  }
0xb1: {  	[dreg:$0x4] =	wrdreg s24  }
0xb2: {  	[dreg:$0x5] =	wrdreg $0xA8000  }
0xb3: {  	[dreg:$0x6] =	wrdreg $0x9  }
0xb4: {  	_ =	task.clear_ibuf [dreg:s8], $0x7FFFF;
	_ =	strace $0x90000046  }
0xb5: {  	s29 =	simm.s32 $0x9;
	_ =	strace $0x80000048  }
0xb6: {  	_ =	swait.ge [sflag:s29], $0x1  }
0xb7: {  	[sflag:s29] =	ssyncadd.s32 $0xFFFFFFFF  }
0xb8: {  	_ =	strace $0x90000048  }
0xb9: {  	_ =	sfence  }
0xba: {  	s30 =	sld [smem:$0x0];
	_ =	sdelay $0x2  }
0xbb: {  	s31 =	sshll.u32 s1, $0xD;
	s1 =	sshrl.u32 s1, $0x2  }
0xbc: {  	s3 =	sand.u32 $0x4000, s31;
	s1 =	sadd.s32 s1, s30  }
0xbd: {  	s0 =	sor.u32 s3, s0;
	s1 =	sshll.u32 s1, $0x11  }
0xbe: {  	s0 =	sor.u32 s1, s0  }
0xbf: {  	s0 =	sadd.s32 $0x8F2B, s0  }
0xc0: {  	[sflag:s0] =	ssyncadd.remote.s32 $0x1  }
0xc1: {  	_ =	sfence.sel $0xFFFF  }
0xc2: {  	[dreg:$0x0] =	wrdreg $0xFFFFFFFF;
	(pc) =	sbr.abs _section_cstart, $3  }
0xc3: {  	[dreg:$0x1] =	wrdreg $0xFFFFFFFF  }
0xc4: {  	_ =	task.clear_ibuf [dreg:s8], $0x2FFFF;
	_ =	strace $0x9FFFFFFF  }
0xc5: {  	(tm) =	ssettm $0x7FFFFFFF  }
tec
execute0_lowered:
.L_overlay_start_1:
0x0: {  	(tag) =	ssettag $0x1  }
0x1: {  	s1 =	rddreg [dreg:$0x0]  }
0x2: {  	s9 =	rddreg [dreg:$0x1]  }
0x3: {  	s6 =	rddreg [dreg:$0x2]  }
0x4: {  	s2 =	rddreg [dreg:$0x3]  }
0x5: {  	s0 =	rddreg [dreg:$0x4]  }
0x6: {  	s3 =	simm.s32 $0x0;
	s4 =	srdreg.scid;
	s16 =	simm.s32 $0x2800  }
0x7: {  	s17 =	simm.s32 $0x6800;
	s18 =	simm.s32 $0x1;
	s19 =	simm.s32 $0x3  }
0x8: {  	s20 =	simm.s32 $0x2;
	s21 =	simm.s32 $0x4;
	s22 =	simm.s32 $0x2700  }
0x9: {  	s23 =	simm.s32 $0x2780;
	[smem:$0x7FF] =	sst s3;
	s10 =	sadd.s32 $0x1A00, s6  }
0xa: {  	s5 =	sand.u32 $0x1, s4;
	s4 =	stileid.u32;
	_ =	strace $0x80000047  }
0xb: {  	s7 =	smul.u32 $0x27800, s5;
	s8 =	sshll.u32 s5, $0x4;
	s11 =	ssub.s32 $0x2, s5  }
0xc: {  	s12 =	smul.u32 $0x4F000, s4;
	s5 =	sadd.s32 $0xBA00, s6;
	s29 =	sshll.u32 s4, $0x6  }
0xd: {  	s25 =	smul.u32 $0x2780, s4;
	s8 =	sor.u32 s4, s8;
	s13 =	sshrl.u32 s11, $0x1  }
0xe: {  	s14 =	smul.u32 $0x2800, s8;
	s15 =	sadd.s32 s7, s6;
	s11 =	ssub.s32 s11, s13  }
0xf: {  	s28 =	sshrl.u32 s12, $0x2;
	s8 =	smul.u32 $0x500, s8;
	s6 =	sor.u32 $0x1C05, s29  }
0x10: {  	s13 =	simm.s32 $0x5;
	s31 =	sadd.s32 s28, s2;
	s24 =	sadd.s32 $0xE200, s15  }
0x11: {  	s11 =	smax.u32 s11, $0x1;
	s15 =	simm.s32 $0x80;
	s30 =	sshrl.u32 s14, $0x3  }
0x12: {  	s7 =	sadd.s32 s9, s8;
	s8 =	sadd.s32 s10, s8;
	s14 =	simm.s32 $0x1400  }
0x13: {  	s24 =	sadd.s32 s25, s24;
	s25 =	simm.s32 $0x0;
	s12 =	sadd.s32 $0x280, s30  }
0x14: {  	s9 =	sadd.s32 s9, s12;
	s10 =	sadd.s32 s10, s12;
	s12 =	sshrl.u32 s31, $0x3  }
.LBB2_1:
0x15: {  	[spmem:s12], [sflag:s6] =	dma.local [hbm:s5], $0x2780  }
0x16: {  	_ =	swait.ge [sflag:s13], $0x2780  }
0x17: {  	[sflag:s13] =	ssyncset.done $0x0  }
0x18: {  	[sflag:s13] =	ssyncadd.s32 $0xFFFFD880  }
0x19: {  	[bflag:$0x0] =	sbarrier.arrive $0xFFFF  }
0x1a: {  	[tilespmem:s3], [sflag:$0x5] =	stream.linear.gather [hbm4b:s7+s3], $0x1400, $0x38;
	[tilespmem:$0x1E400] =	vst v63  }
0x1b: {  	_ =	swait.ge [sflag:s13], $0x1400  }
0x1c: {  	[sflag:s13] =	ssyncset.done $0x0  }
0x1d: {  	[sflag:s13] =	ssyncadd.s32 $0xFFFFEC00  }
0x1e: {  	[tilespmem:s14], [sflag:$0x5] =	stream.linear.gather [hbm4b:s8+s3], $0x1400, $0x38;
	[tilespmem:$0x1E400] =	vst v63  }
0x1f: {  	_ =	swait.ge [sflag:s13], $0x1400  }
0x20: {  	[sflag:s13] =	ssyncset.done $0x0  }
0x21: {  	[sflag:s13] =	ssyncadd.s32 $0xFFFFEC00  }
0x22: {  	[tilespmem:s16], [sflag:$0x1] =	stream.indirect.gather [hbm4b:s1+s15], $0x80, s3, s15, $0xb8;
	[tilespmem:$0x1E400] =	vst v63  }
0x23: {  	_ = 	snop  }
0x24: {  	[tilespmem:s17], [sflag:$0x2] =	stream.indirect.gather [hbm4b:s1+s15], $0x80, s15, s15, $0xb8;
	[tilespmem:$0x1E400] =	vst v63  }
0x25: {  	_ =	swait.ge [sflag:s18], $0x4000  }
0x26: {  	[sflag:s18] =	ssyncset.done $0x0  }
0x27: {  	s26 =	simm.s32 $0x1400;
	[sflag:s18] =	ssyncadd.s32 $0xFFFFC000  }
0x28: {  	[spmem:s2] =	stream.indirect.scatter.add.f32 [tilespmem:s16], [sflag:$0x3], $0x80, s26, s15, $0xb8;
	[tilespmem:$0x1E400] =	vst v63  }
0x29: {  	_ =	swait.ge [sflag:s19], $0x4000  }
0x2a: {  	[sflag:s19] =	ssyncset.done $0x0  }
0x2b: {  	s30 =	simm.s32 $0x100;
	[sflag:s19] =	ssyncadd.s32 $0xFFFFC000  }
0x2c: {  	[tilespmem:s16], [sflag:$0x1] =	stream.indirect.gather [hbm4b:s1+s15], $0x80, s30, s15, $0xb8;
	[tilespmem:$0x1E400] =	vst v63  }
0x2d: {  	_ =	swait.ge [sflag:s20], $0x4000  }
0x2e: {  	[sflag:s20] =	ssyncset.done $0x0  }
0x2f: {  	s31 =	simm.s32 $0x1480;
	[sflag:s20] =	ssyncadd.s32 $0xFFFFC000  }
0x30: {  	[spmem:s2] =	stream.indirect.scatter.add.f32 [tilespmem:s17], [sflag:$0x4], $0x80, s31, s15, $0xb8;
	[tilespmem:$0x1E400] =	vst v63  }
0x31: {  	_ =	swait.ge [sflag:s21], $0x4000  }
0x32: {  	[sflag:s21] =	ssyncset.done $0x0  }
0x33: {  	s28 =	simm.s32 $0x180;
	s26 =	simm.s32 $0x400;
	[sflag:s21] =	ssyncadd.s32 $0xFFFFC000  }
.LBB2_2:
0x34: {  	[tilespmem:s17], [sflag:$0x2] =	stream.indirect.gather [hbm4b:s1+s15], $0x80, s28, s15, $0xb8;
	[tilespmem:$0x1E400] =	vst v63  }
0x35: {  	s28 =	smov.u32 s26  }
0x36: {  	p0 =	sne.s32 s26, $0x4800;
	s26 =	sadd.s32 $0x400, s26;
	_ =	swait.ge [sflag:s18], $0x4000  }
0x37: {  	s28 =	sshra.s32 s28, $0x2;
	[sflag:s18] =	ssyncset.done $0x0  }
0x38: {  	s29 =	sadd.s32 $0x1400, s28;
	[sflag:s18] =	ssyncadd.s32 $0xFFFFC000  }
0x39: {  	[spmem:s2] =	stream.indirect.scatter.add.f32 [tilespmem:s16], [sflag:$0x3], $0x80, s29, s15, $0xb8;
	[tilespmem:$0x1E400] =	vst v63  }
0x3a: {  	_ =	swait.ge [sflag:s19], $0x4000  }
0x3b: {  	[sflag:s19] =	ssyncset.done $0x0  }
0x3c: {  	s29 =	sadd.s32 $0x100, s28;
	[sflag:s19] =	ssyncadd.s32 $0xFFFFC000  }
0x3d: {  	[tilespmem:s16], [sflag:$0x1] =	stream.indirect.gather [hbm4b:s1+s15], $0x80, s29, s15, $0xb8;
	[tilespmem:$0x1E400] =	vst v63  }
0x3e: {  	_ =	swait.ge [sflag:s20], $0x4000  }
0x3f: {  	[sflag:s20] =	ssyncset.done $0x0  }
.Ltmp0:
0x40: {  	s29 =	sadd.s32 $0x1480, s28;
	[sflag:s20] =	ssyncadd.s32 $0xFFFFC000;
	(pc) =	sbr.rel @p0 .LBB2_2-.Ltmp0, $4  }
0x41: {  	[spmem:s2] =	stream.indirect.scatter.add.f32 [tilespmem:s17], [sflag:$0x4], $0x80, s29, s15, $0xb8;
	[tilespmem:$0x1E400] =	vst v63  }
0x42: {  	_ =	swait.ge [sflag:s21], $0x4000  }
0x43: {  	[sflag:s21] =	ssyncset.done $0x0  }
0x44: {  	s28 =	sadd.s32 $0x180, s28;
	[sflag:s21] =	ssyncadd.s32 $0xFFFFC000  }
0x45: {  	[tilespmem:s17], [sflag:$0x2] =	stream.indirect.gather [hbm4b:s1+s15], $0x80, s28, s15, $0xb8;
	[tilespmem:$0x1E400] =	vst v63  }
0x46: {  	_ =	swait.ge [sflag:s18], $0x4000  }
0x47: {  	[sflag:s18] =	ssyncset.done $0x0  }
0x48: {  	[sflag:s18] =	ssyncadd.s32 $0xFFFFC000  }
0x49: {  	[spmem:s2] =	stream.indirect.scatter.add.f32 [tilespmem:s16], [sflag:$0x3], $0x80, s22, s15, $0xb8;
	[tilespmem:$0x1E400] =	vst v63  }
0x4a: {  	_ =	swait.ge [sflag:s19], $0x4000  }
0x4b: {  	[sflag:s19] =	ssyncset.done $0x0  }
0x4c: {  	[sflag:s19] =	ssyncadd.s32 $0xFFFFC000  }
0x4d: {  	_ =	swait.ge [sflag:s20], $0x4000  }
0x4e: {  	[sflag:s20] =	ssyncset.done $0x0  }
0x4f: {  	[sflag:s20] =	ssyncadd.s32 $0xFFFFC000  }
0x50: {  	[spmem:s2] =	stream.indirect.scatter.add.f32 [tilespmem:s17], [sflag:$0x4], $0x80, s23, s15, $0xb8;
	[tilespmem:$0x1E400] =	vst v63  }
0x51: {  	_ =	swait.ge [sflag:s21], $0x4000  }
0x52: {  	[sflag:s21] =	ssyncset.done $0x0  }
0x53: {  	s26 =	simm.s32 $0x0;
	[sflag:s21] =	ssyncadd.s32 $0xFFFFC000  }
0x54: {  	[tilespmem:s26], [sflag:$0x5] =	stream.linear.gather [hbm4b:s9+s26], $0x1400, $0x38;
	[tilespmem:$0x1E400] =	vst v63  }
0x55: {  	_ =	swait.ge [sflag:s13], $0x1400  }
0x56: {  	[sflag:s13] =	ssyncset.done $0x0  }
0x57: {  	[sflag:s13] =	ssyncadd.s32 $0xFFFFEC00  }
0x58: {  	[tilespmem:s14], [sflag:$0x5] =	stream.linear.gather [hbm4b:s10+s26], $0x1400, $0x38;
	[tilespmem:$0x1E400] =	vst v63  }
0x59: {  	_ =	swait.ge [sflag:s13], $0x1400  }
0x5a: {  	[sflag:s13] =	ssyncset.done $0x0  }
0x5b: {  	[sflag:s13] =	ssyncadd.s32 $0xFFFFEC00  }
0x5c: {  	[tilespmem:s16], [sflag:$0x1] =	stream.indirect.gather [hbm4b:s1+s15], $0x80, s26, s15, $0xb8;
	[tilespmem:$0x1E400] =	vst v63  }
0x5d: {  	_ = 	snop  }
0x5e: {  	[tilespmem:s17], [sflag:$0x2] =	stream.indirect.gather [hbm4b:s1+s15], $0x80, s15, s15, $0xb8;
	[tilespmem:$0x1E400] =	vst v63  }
0x5f: {  	_ =	swait.ge [sflag:s18], $0x4000  }
0x60: {  	[sflag:s18] =	ssyncset.done $0x0  }
0x61: {  	s29 =	simm.s32 $0x1400;
	[sflag:s18] =	ssyncadd.s32 $0xFFFFC000  }
0x62: {  	[spmem:s2] =	stream.indirect.scatter.add.f32 [tilespmem:s16], [sflag:$0x3], $0x80, s29, s15, $0xb8;
	[tilespmem:$0x1E400] =	vst v63  }
0x63: {  	_ =	swait.ge [sflag:s19], $0x4000  }
0x64: {  	[sflag:s19] =	ssyncset.done $0x0  }
0x65: {  	s30 =	simm.s32 $0x100;
	[sflag:s19] =	ssyncadd.s32 $0xFFFFC000  }
0x66: {  	[tilespmem:s16], [sflag:$0x1] =	stream.indirect.gather [hbm4b:s1+s15], $0x80, s30, s15, $0xb8;
	[tilespmem:$0x1E400] =	vst v63  }
0x67: {  	_ =	swait.ge [sflag:s20], $0x4000  }
0x68: {  	[sflag:s20] =	ssyncset.done $0x0  }
0x69: {  	s31 =	simm.s32 $0x1480;
	[sflag:s20] =	ssyncadd.s32 $0xFFFFC000  }
0x6a: {  	[spmem:s2] =	stream.indirect.scatter.add.f32 [tilespmem:s17], [sflag:$0x4], $0x80, s31, s15, $0xb8;
	[tilespmem:$0x1E400] =	vst v63  }
0x6b: {  	_ =	swait.ge [sflag:s21], $0x4000  }
0x6c: {  	[sflag:s21] =	ssyncset.done $0x0  }
0x6d: {  	s28 =	simm.s32 $0x180;
	s26 =	simm.s32 $0x400;
	[sflag:s21] =	ssyncadd.s32 $0xFFFFC000  }
.LBB2_4:
0x6e: {  	[tilespmem:s17], [sflag:$0x2] =	stream.indirect.gather [hbm4b:s1+s15], $0x80, s28, s15, $0xb8;
	[tilespmem:$0x1E400] =	vst v63  }
0x6f: {  	s28 =	smov.u32 s26  }
0x70: {  	p0 =	sne.s32 s26, $0x4800;
	s26 =	sadd.s32 $0x400, s26;
	_ =	swait.ge [sflag:s18], $0x4000  }
0x71: {  	s28 =	sshra.s32 s28, $0x2;
	[sflag:s18] =	ssyncset.done $0x0  }
0x72: {  	s29 =	sadd.s32 $0x1400, s28;
	[sflag:s18] =	ssyncadd.s32 $0xFFFFC000  }
0x73: {  	[spmem:s2] =	stream.indirect.scatter.add.f32 [tilespmem:s16], [sflag:$0x3], $0x80, s29, s15, $0xb8;
	[tilespmem:$0x1E400] =	vst v63  }
0x74: {  	_ =	swait.ge [sflag:s19], $0x4000  }
0x75: {  	[sflag:s19] =	ssyncset.done $0x0  }
0x76: {  	s29 =	sadd.s32 $0x100, s28;
	[sflag:s19] =	ssyncadd.s32 $0xFFFFC000  }
0x77: {  	[tilespmem:s16], [sflag:$0x1] =	stream.indirect.gather [hbm4b:s1+s15], $0x80, s29, s15, $0xb8;
	[tilespmem:$0x1E400] =	vst v63  }
0x78: {  	_ =	swait.ge [sflag:s20], $0x4000  }
0x79: {  	[sflag:s20] =	ssyncset.done $0x0  }
.Ltmp1:
0x7a: {  	s29 =	sadd.s32 $0x1480, s28;
	[sflag:s20] =	ssyncadd.s32 $0xFFFFC000;
	(pc) =	sbr.rel @p0 .LBB2_4-.Ltmp1, $4  }
0x7b: {  	[spmem:s2] =	stream.indirect.scatter.add.f32 [tilespmem:s17], [sflag:$0x4], $0x80, s29, s15, $0xb8;
	[tilespmem:$0x1E400] =	vst v63  }
0x7c: {  	_ =	swait.ge [sflag:s21], $0x4000  }
0x7d: {  	[sflag:s21] =	ssyncset.done $0x0  }
0x7e: {  	s28 =	sadd.s32 $0x180, s28;
	[sflag:s21] =	ssyncadd.s32 $0xFFFFC000  }
0x7f: {  	[tilespmem:s17], [sflag:$0x2] =	stream.indirect.gather [hbm4b:s1+s15], $0x80, s28, s15, $0xb8;
	[tilespmem:$0x1E400] =	vst v63  }
0x80: {  	_ =	swait.ge [sflag:s18], $0x4000  }
0x81: {  	[sflag:s18] =	ssyncset.done $0x0  }
0x82: {  	[sflag:s18] =	ssyncadd.s32 $0xFFFFC000  }
0x83: {  	[spmem:s2] =	stream.indirect.scatter.add.f32 [tilespmem:s16], [sflag:$0x3], $0x80, s22, s15, $0xb8;
	[tilespmem:$0x1E400] =	vst v63  }
0x84: {  	_ =	swait.ge [sflag:s19], $0x4000  }
0x85: {  	[sflag:s19] =	ssyncset.done $0x0  }
0x86: {  	[sflag:s19] =	ssyncadd.s32 $0xFFFFC000  }
0x87: {  	_ =	swait.ge [sflag:s20], $0x4000  }
0x88: {  	[sflag:s20] =	ssyncset.done $0x0  }
0x89: {  	[sflag:s20] =	ssyncadd.s32 $0xFFFFC000  }
0x8a: {  	[spmem:s2] =	stream.indirect.scatter.add.f32 [tilespmem:s17], [sflag:$0x4], $0x80, s23, s15, $0xb8;
	[tilespmem:$0x1E400] =	vst v63  }
0x8b: {  	_ =	swait.ge [sflag:s21], $0x4000  }
0x8c: {  	s25 =	sadd.s32 $0x1, s25;
	[sflag:s21] =	ssyncset.done $0x0  }
0x8d: {  	p0 =	sne.s32 s25, s11;
	[sflag:s21] =	ssyncadd.s32 $0xFFFFC000  }
.Ltmp2:
0x8e: {  	[bflag:$0x0] =	sbarrier.arrive $0xFFFF;
	(pc) =	sbr.rel @p0 .LBB2_1-.Ltmp2, $4  }
0x8f: {  	[hbm:s24], [sflag:s6] =	dma.local [spmem:s12], $0x2780  }
0x90: {  	_ =	swait.ge [sflag:s13], $0x2780  }
0x91: {  	[sflag:s13] =	ssyncset.done $0x0  }
0x92: {  	[sflag:s13] =	ssyncadd.s32 $0xFFFFD880  }
0x93: {  	_ =	sfence.sel $0x180000  }
0x94: {  	[bflag:$0x0] =	sbarrier.arrive $0xFFFF  }
0x95: {  	p0 =	sne.s32 s4, $0x0;
	_ =	strace $0x90000047  }
0x96: {  	s0 =	sadd.s32 @!p0 $0x100000, s0;
	[bflag:$0x2] =	sbarrier.arrive $0xFFFF  }
0x97: {  	[sflag:s0] =	ssyncadd.tile.s32 @!p0 $0x1;
	_ =	shalt  }
.Lfunc_end2:
_tile_overlayer_lowered:
.L_overlay_start_2:
0x98: {  	(tag) =	ssettag $0x2  }
0x99: {  	s0 =	rddreg [dreg:$0x0];
	s2 =	stileid.u32  }
0x9a: {  	s1 =	rddreg [dreg:$0x1];
	p0 =	sne.s32 s2, $0x0  }
0x9b: {  	s3 =	rddreg [dreg:$0x2];
	[bflag:$0x3] =	sbarrier.arrive $0xFFFF;
	s2 =	simm.s32 @!p0 $0x1C05  }
0x9c: {  	[timem:s3], [sflag:s2] =	dma.local @!p0 [hbm:s0], s1  }
0x9d: {  	s0 =	simm.s32 @!p0 $0x5  }
0x9e: {  	_ =	swait.ge @!p0 [sflag:s0], s1  }
0x9f: {  	s1 =	ssub.s32 @!p0 $0x0, s1;
	[sflag:s0] =	ssyncset.done @!p0 $0x0  }
0xa0: {  	[sflag:s0] =	ssyncadd.s32 @!p0 s1  }
0xa1: {  	[bflag:$0x3] =	sbarrier.arrive $0xFFFF  }
0xa2: {  	_ =	shalt  }

// kernel: kernel.9.cloned.1.call-start
scs
__scs_entry_jumppad:
0x0: {  	(pc) =	sbr.rel $0x88, $3  }
0x1: {  	(tag) =	ssettag $0x0;
	lr =	simm.s32 $0x1  }
0x2: {  	[smem:$0x3F9B] =	sst lr;
	_ =	strace $0xD0000000  }
0x3: {  	_ = 	snop  }
0x4: {  	_ = 	snop  }
0x5: {  	_ = 	snop  }
0x6: {  	_ = 	snop  }
0x7: {  	_ = 	snop  }
__scs_overlays_trampoline_lowered:
0x8: {  	[smem:$0x3FAA] =	sst s0  }
0x9: {  	[smem:$0x3FAB] =	sst s1  }
0xa: {  	[smem:$0x3FAC] =	sst s2  }
0xb: {  	[smem:$0x3FAD] =	sst s3  }
0xc: {  	[smem:$0x3FAE] =	sst s4  }
0xd: {  	[smem:$0x3FAF] =	sst s5  }
0xe: {  	[smem:$0x3FB0] =	sst s6  }
0xf: {  	[smem:$0x3FB1] =	sst s7  }
0x10: {  	[smem:$0x3FB2] =	sst s8  }
0x11: {  	[smem:$0x3FB3] =	sst s9;
	s0 =	simm.s32 @!p0 $0x0  }
0x12: {  	s1 =	sld [smem:$0x3F99];
	s0 =	simm.s32 @p0 $0x1  }
0x13: {  	[smem:$0x3FB4] =	sst s0;
	s0 =	simm.s32 @!p1 $0x0  }
0x14: {  	s2 =	sld [smem:$0x3F98];
	s0 =	simm.s32 @p1 $0x1  }
0x15: {  	[smem:$0x3FB5] =	sst s0;
	s0 =	simm.s32 @!p2 $0x0  }
0x16: {  	s3 =	sld [smem:$0x3FDB];
	s0 =	simm.s32 @p2 $0x1  }
0x17: {  	s4 =	simm.s32 $0x1BF5;
	[smem:$0x3FB7] =	sst s0  }
0x18: {  	s0 =	sld [smem:$0x3F9A];
	_ =	swait.ge [sflag:s4], $0x0  }
0x19: {  	s7 =	sld [smem:$0x3F9B]  }
0x1a: {  	s8 =	sadd.s32 $0xFFFFE003, lr  }
0x1b: {  	s9 =	sadd.s32 $0xFFFFFEF7, lr;
	s5 =	simm.s32 $0xFFFFFFFF;
	p2 =	slt.u32 s8, $0xFFFFF086  }
0x1c: {  	p1 =	slt.u32 s9, $0xF7A;
	s5 =	simm.s32 @!p2 $0x0  }
0x1d: {  	s5 =	simm.s32 @p1 $0x1;
	p0 =	seq.s32 s7, s2  }
0x1e: {  	s7 =	smul.u32 @!p0 $0xF7A, s2;
	p2 =	seq.s32 @!p0 s5, $0x0  }
0x1f: {  	s9 =	smul.u32 $0xF7A, s1;
	s8 =	simm.s32 @!p0 $0x1BF5;
	p2 =	por !p2, p0  }
0x20: {  	[sflag:s8] =	ssyncset.s32 @!p0 $0xFFFFF086;
	s6 =	sadd.s32 @!p0 s3, s7;
	s7 =	simm.s32 @!p0 $0x108  }
0x21: {  	s3 =	sadd.s32 s3, s9;
	s6 =	sadd.s32 @!p0 $0x88, s6;
	s7 =	simm.s32 @p2 $0x1082  }
0x22: {  	[simem:s7], [sflag:s8] =	dma.local @!p0 [hbm:s6], $0xF7A  }
0x23: {  	s9 =	sor.u32 $0xD0000000, s2;
	s6 =	simm.s32 $0x108;
	_ =	swait.ge @!p0 [sflag:s8], $0x0  }
0x24: {  	s3 =	sadd.s32 $0x88, s3;
	s6 =	simm.s32 @!p1 $0x1082;
	[sflag:s4] =	ssyncset.s32 $0xFFFFF086  }
0x25: {  	[simem:s6], [sflag:s4] =	dma.local [hbm:s3], $0xF7A  }
0x26: {  	[smem:$0x3F9B] =	sst s1;
	(tag) =	ssettag s2;
	_ =	strace s9  }
0x27: {  	s1 =	sld [smem:$0x3FAB]  }
0x28: {  	s2 =	sld [smem:$0x3FAC]  }
0x29: {  	s4 =	sld [smem:$0x3FAE]  }
0x2a: {  	p0 =	seq.s32 s5, $0x0;
	s5 =	sld [smem:$0x3FAF]  }
0x2b: {  	s6 =	sld [smem:$0x3FB0]  }
0x2c: {  	s7 =	sld [smem:$0x3FB1]  }
0x2d: {  	s3 =	simm.s32 $0x108;
	s8 =	sld [smem:$0x3FB2]  }
0x2e: {  	s3 =	simm.s32 @!p0 $0x1082;
	s9 =	sld [smem:$0x3FB3]  }
0x2f: {  	lr =	sadd.s32 s0, s3;
	s0 =	sld [smem:$0x3FAA]  }
0x30: {  	s3 =	sld [smem:$0x3FAD]  }
0x31: {  	[smem:$0x3FB6] =	sst s10  }
0x32: {  	s10 =	sld [smem:$0x3FB4];
	_ =	sdelay $0x3  }
0x33: {  	p0 =	seq.s32 s10, $0x1;
	s10 =	sld [smem:$0x3FB6];
	_ =	sdelay $0x3  }
0x34: {  	[smem:$0x3FB6] =	sst s10  }
0x35: {  	s10 =	sld [smem:$0x3FB5];
	_ =	sdelay $0x3  }
0x36: {  	p1 =	seq.s32 s10, $0x1;
	s10 =	sld [smem:$0x3FB6];
	_ =	sdelay $0x3  }
0x37: {  	[smem:$0x3FB6] =	sst s10  }
0x38: {  	s10 =	sld [smem:$0x3FB7]  }
0x39: {  	_ = 	snop;
	(pc) =	sbr.ind lr, $3  }
0x3a: {  	_ = 	snop  }
0x3b: {  	_ = 	snop  }
0x3c: {  	p2 =	seq.s32 s10, $0x1;
	s10 =	sld [smem:$0x3FB6]  }
0x3d: {  	_ =	shalt  }
0x3e: {  	_ =	shalt  }
0x3f: {  	_ =	shalt  }
0x40: {  	_ =	shalt  }
0x41: {  	_ =	shalt  }
0x42: {  	_ =	shalt  }
0x43: {  	_ =	shalt  }
0x44: {  	_ =	shalt  }
0x45: {  	_ =	shalt  }
0x46: {  	_ =	shalt  }
0x47: {  	_ =	shalt  }
0x48: {  	_ =	shalt  }
0x49: {  	_ =	shalt  }
0x4a: {  	_ =	shalt  }
0x4b: {  	_ =	shalt  }
0x4c: {  	_ =	shalt  }
0x4d: {  	_ =	shalt  }
0x4e: {  	_ =	shalt  }
0x4f: {  	_ =	shalt  }
0x50: {  	_ =	shalt  }
0x51: {  	_ =	shalt  }
0x52: {  	_ =	shalt  }
0x53: {  	_ =	shalt  }
0x54: {  	_ =	shalt  }
0x55: {  	_ =	shalt  }
0x56: {  	_ =	shalt  }
0x57: {  	_ =	shalt  }
0x58: {  	_ =	shalt  }
0x59: {  	_ =	shalt  }
0x5a: {  	_ =	shalt  }
0x5b: {  	_ =	shalt  }
0x5c: {  	_ =	shalt  }
0x5d: {  	_ =	shalt  }
0x5e: {  	_ =	shalt  }
0x5f: {  	_ =	shalt  }
0x60: {  	_ =	shalt  }
0x61: {  	_ =	shalt  }
0x62: {  	_ =	shalt  }
0x63: {  	_ =	shalt  }
0x64: {  	_ =	shalt  }
0x65: {  	_ =	shalt  }
0x66: {  	_ =	shalt  }
0x67: {  	_ =	shalt  }
0x68: {  	_ =	shalt  }
0x69: {  	_ =	shalt  }
0x6a: {  	_ =	shalt  }
0x6b: {  	_ =	shalt  }
0x6c: {  	_ =	shalt  }
0x6d: {  	_ =	shalt  }
0x6e: {  	_ =	shalt  }
0x6f: {  	_ =	shalt  }
0x70: {  	_ =	shalt  }
0x71: {  	_ =	shalt  }
0x72: {  	_ =	shalt  }
0x73: {  	_ =	shalt  }
0x74: {  	_ =	shalt  }
0x75: {  	_ =	shalt  }
0x76: {  	_ =	shalt  }
0x77: {  	_ =	shalt  }
0x78: {  	_ =	shalt  }
0x79: {  	_ =	shalt  }
0x7a: {  	_ =	shalt  }
0x7b: {  	_ =	shalt  }
0x7c: {  	_ =	shalt  }
0x7d: {  	_ =	shalt  }
0x7e: {  	_ =	shalt  }
0x7f: {  	_ =	shalt  }
0x80: {  	_ =	shalt  }
0x81: {  	_ =	shalt  }
0x82: {  	_ =	shalt  }
0x83: {  	_ =	shalt  }
0x84: {  	_ =	shalt  }
0x85: {  	_ =	shalt  }
0x86: {  	_ =	shalt  }
0x87: {  	_ =	shalt  }
.Lfunc_end0:
.L_simem_size_0:
called_computation.1_lowered:
.L_overlay_start_0:
0x88: {  	s2 =	sld [smem:$0x3FD9]  }
0x89: {  	s3 =	sld [smem:$0x3FFE];
	_ =	sdelay $0x1  }
0x8a: {  	s1 =	srdreg.scid  }
0x8b: {  	s0 =	sand.u32 $0x1, s1  }
0x8c: {  	s17 =	sshll.u32 s0, $0xA;
	s2 =	sadd.s32 s3, s2  }
0x8d: {  	s2 =	sadd.s32 s2, s17  }
0x8e: {  	[smem:$0x3FC2] =	sst s2  }
0x8f: {  	_ = 	snop  }
0x90: {  	s2 =	sld [smem:$0x3FD0];
	(tm) =	ssettm $0x1  }
0x91: {  	s18 =	sld [smem:$0x3FFB];
	_ =	sdelay $0x3  }
0x92: {  	_ =	strace s18  }
0x93: {  	s3 =	sld [smem:$0x3FFC];
	_ =	sdelay $0x3  }
0x94: {  	_ =	strace s3  }
0x95: {  	s3 =	sld [smem:$0x3FFD];
	_ =	sdelay $0x3  }
0x96: {  	_ =	strace s3  }
0x97: {  	_ =	strace $0x8FFFFFFF  }
0x98: {  	s19 =	sld [smem:$0x3FDB];
	_ =	sdelay $0x1  }
0x99: {  	s4 =	simm.s32 $_scs_section_size  }
0x9a: {  	s5 =	simm.s32 $_size__tile_overlayer_lowered;
	s6 =	simm.s32 $_tile_overlayer_lowered  }
0x9b: {  	s22 =	simm.s32 $0x1BFF;
	s21 =	sshll.u32 s6, $0x1;
	s3 =	sadd.s32 s4, s19  }
0x9c: {  	s7 =	simm.s32 $0x0;
	s20 =	sshll.u32 s5, $0x1;
	s5 =	sadd.s32 s21, s3  }
0x9d: {  	[timem:s7], [sflag:s22] =	dma.local [hbm:s5], s20  }
0x9e: {  	_ =	swait.ge [sflag:s22], s20  }
0x9f: {  	s4 =	ssub.s32 $0x0, s20;
	[sflag:s22] =	ssyncset.done $0x0  }
0xa0: {  	[sflag:s22] =	ssyncadd.s32 s4;
	_ =	sdelay $0x1  }
0xa1: {  	s23 =	simm.s32 $0x1B8B  }
0xa2: {  	_ =	swait.ge [sflag:s23], $0x1  }
0xa3: {  	[sflag:s23] =	ssyncset.done $0x0  }
0xa4: {  	s25 =	simm.s32 $0x1B8E;
	s24 =	sld [smem:$0x3FFE];
	[sflag:s23] =	ssyncadd.s32 $0xFFFFFFFF  }
0xa5: {  	s26 =	simm.s32 $execute0_lowered;
	[smem:$0x3FD2] =	sst s25  }
0xa6: {  	s5 =	sshll.u32 s26, $0x1;
	_ =	strace $0x80000049;
	[dreg:$0x1] =	wrdreg $0xFFFFFFFF  }
0xa7: {  	s28 =	simm.s32 $_size_execute0_lowered;
	s3 =	sadd.s32 s3, s5;
	[dreg:$0x0] =	wrdreg $0x0  }
0xa8: {  	s5 =	sshll.u32 s28, $0x1;
	[dreg:$0x2] =	wrdreg s3  }
0xa9: {  	[dreg:$0x3] =	wrdreg s5  }
0xaa: {  	[dreg:$0x4] =	wrdreg $0xC0  }
0xab: {  	_ =	task [dreg:s7], $0x5FFFF  }
0xac: {  	[dreg:$0x1] =	wrdreg $0xFFFFFFFF  }
0xad: {  	[dreg:$0x0] =	wrdreg $0x60  }
0xae: {  	[dreg:$0x2] =	wrdreg s24  }
0xaf: {  	[dreg:$0x3] =	wrdreg s2  }
0xb0: {  	[dreg:$0x4] =	wrdreg $0xA8000  }
0xb1: {  	[dreg:$0x5] =	wrdreg $0x9  }
0xb2: {  	_ =	task.clear_ibuf [dreg:s7], $0x6FFFF;
	_ =	strace $0x90000049  }
0xb3: {  	s29 =	simm.s32 $0x9;
	_ =	strace $0x8000004B  }
0xb4: {  	_ =	swait.ge [sflag:s29], $0x1  }
0xb5: {  	[sflag:s29] =	ssyncadd.s32 $0xFFFFFFFF  }
0xb6: {  	_ =	strace $0x9000004B  }
0xb7: {  	_ =	sfence  }
0xb8: {  	s30 =	sld [smem:$0x0];
	_ =	sdelay $0x2  }
0xb9: {  	s31 =	sshll.u32 s1, $0xD;
	s1 =	sshrl.u32 s1, $0x2  }
0xba: {  	s3 =	sand.u32 $0x4000, s31;
	s1 =	sadd.s32 s1, s30  }
0xbb: {  	s0 =	sor.u32 s3, s0;
	s1 =	sshll.u32 s1, $0x11  }
0xbc: {  	s0 =	sor.u32 s1, s0  }
0xbd: {  	s0 =	sadd.s32 $0x8F2B, s0  }
0xbe: {  	[sflag:s0] =	ssyncadd.remote.s32 $0x1  }
0xbf: {  	_ =	sfence.sel $0xFFFF  }
0xc0: {  	[dreg:$0x0] =	wrdreg $0xFFFFFFFF;
	(pc) =	sbr.abs _section_cstart, $3  }
0xc1: {  	[dreg:$0x1] =	wrdreg $0xFFFFFFFF  }
0xc2: {  	_ =	task.clear_ibuf [dreg:s7], $0x2FFFF;
	_ =	strace $0x9FFFFFFF  }
0xc3: {  	(tm) =	ssettm $0x7FFFFFFF  }
tec
execute0_lowered:
.L_overlay_start_1:
0x0: {  	(tag) =	ssettag $0x1  }
0x1: {  	s6 =	rddreg [dreg:$0x0]  }
0x2: {  	s9 =	rddreg [dreg:$0x1]  }
0x3: {  	s1 =	rddreg [dreg:$0x2]  }
0x4: {  	s0 =	rddreg [dreg:$0x3];
	s2 =	simm.s32 $0x0  }
0x5: {  	s3 =	srdreg.scid;
	s16 =	simm.s32 $0x2800;
	s17 =	simm.s32 $0x6800  }
0x6: {  	s18 =	simm.s32 $0x1;
	s19 =	simm.s32 $0x3;
	s20 =	simm.s32 $0x2  }
0x7: {  	s21 =	simm.s32 $0x4;
	s22 =	simm.s32 $0x2700;
	s23 =	simm.s32 $0x2780  }
0x8: {  	[smem:$0x7FF] =	sst s2;
	s4 =	sadd.s32 $0xE200, s6;
	s10 =	sadd.s32 $0x1A00, s6  }
0x9: {  	s5 =	sand.u32 $0x1, s3;
	s3 =	stileid.u32;
	_ =	strace $0x8000004A  }
0xa: {  	s7 =	smul.u32 $0x27800, s5;
	s8 =	sshll.u32 s5, $0x4;
	s11 =	ssub.s32 $0x2, s5  }
0xb: {  	s12 =	smul.u32 $0x4F000, s3;
	s5 =	sadd.s32 $0xBA00, s6;
	s29 =	sshll.u32 s3, $0x6  }
0xc: {  	s25 =	smul.u32 $0x2780, s3;
	s8 =	sor.u32 s3, s8;
	s13 =	sshrl.u32 s11, $0x1  }
0xd: {  	s14 =	smul.u32 $0x2800, s8;
	s15 =	sadd.s32 s7, s6;
	s11 =	ssub.s32 s11, s13  }
0xe: {  	s28 =	sshrl.u32 s12, $0x2;
	s8 =	smul.u32 $0x500, s8;
	s6 =	sor.u32 $0x1C05, s29  }
0xf: {  	s13 =	simm.s32 $0x5;
	s31 =	sadd.s32 s28, s1;
	s24 =	sadd.s32 $0x35400, s15  }
0x10: {  	s11 =	smax.u32 s11, $0x1;
	s15 =	simm.s32 $0x80;
	s30 =	sshrl.u32 s14, $0x3  }
0x11: {  	s7 =	sadd.s32 s9, s8;
	s8 =	sadd.s32 s10, s8;
	s14 =	simm.s32 $0x1400  }
0x12: {  	s24 =	sadd.s32 s25, s24;
	s25 =	simm.s32 $0x0;
	s12 =	sadd.s32 $0x280, s30  }
0x13: {  	s9 =	sadd.s32 s9, s12;
	s10 =	sadd.s32 s10, s12;
	s12 =	sshrl.u32 s31, $0x3  }
.LBB2_1:
0x14: {  	[spmem:s12], [sflag:s6] =	dma.local [hbm:s5], $0x2780  }
0x15: {  	_ =	swait.ge [sflag:s13], $0x2780  }
0x16: {  	[sflag:s13] =	ssyncset.done $0x0  }
0x17: {  	[sflag:s13] =	ssyncadd.s32 $0xFFFFD880  }
0x18: {  	[bflag:$0x0] =	sbarrier.arrive $0xFFFF  }
0x19: {  	[tilespmem:s2], [sflag:$0x5] =	stream.linear.gather [hbm4b:s7+s2], $0x1400, $0x38;
	[tilespmem:$0x1E400] =	vst v63  }
0x1a: {  	_ =	swait.ge [sflag:s13], $0x1400  }
0x1b: {  	[sflag:s13] =	ssyncset.done $0x0  }
0x1c: {  	[sflag:s13] =	ssyncadd.s32 $0xFFFFEC00  }
0x1d: {  	[tilespmem:s14], [sflag:$0x5] =	stream.linear.gather [hbm4b:s8+s2], $0x1400, $0x38;
	[tilespmem:$0x1E400] =	vst v63  }
0x1e: {  	_ =	swait.ge [sflag:s13], $0x1400  }
0x1f: {  	[sflag:s13] =	ssyncset.done $0x0  }
0x20: {  	[sflag:s13] =	ssyncadd.s32 $0xFFFFEC00  }
0x21: {  	[tilespmem:s16], [sflag:$0x1] =	stream.indirect.gather [hbm4b:s4+s15], $0x80, s2, s15, $0xb8;
	[tilespmem:$0x1E400] =	vst v63  }
0x22: {  	_ = 	snop  }
0x23: {  	[tilespmem:s17], [sflag:$0x2] =	stream.indirect.gather [hbm4b:s4+s15], $0x80, s15, s15, $0xb8;
	[tilespmem:$0x1E400] =	vst v63  }
0x24: {  	_ =	swait.ge [sflag:s18], $0x4000  }
0x25: {  	[sflag:s18] =	ssyncset.done $0x0  }
0x26: {  	s26 =	simm.s32 $0x1400;
	[sflag:s18] =	ssyncadd.s32 $0xFFFFC000  }
0x27: {  	[spmem:s1] =	stream.indirect.scatter.add.f32 [tilespmem:s16], [sflag:$0x3], $0x80, s26, s15, $0xb8;
	[tilespmem:$0x1E400] =	vst v63  }
0x28: {  	_ =	swait.ge [sflag:s19], $0x4000  }
0x29: {  	[sflag:s19] =	ssyncset.done $0x0  }
0x2a: {  	s30 =	simm.s32 $0x100;
	[sflag:s19] =	ssyncadd.s32 $0xFFFFC000  }
0x2b: {  	[tilespmem:s16], [sflag:$0x1] =	stream.indirect.gather [hbm4b:s4+s15], $0x80, s30, s15, $0xb8;
	[tilespmem:$0x1E400] =	vst v63  }
0x2c: {  	_ =	swait.ge [sflag:s20], $0x4000  }
0x2d: {  	[sflag:s20] =	ssyncset.done $0x0  }
0x2e: {  	s31 =	simm.s32 $0x1480;
	[sflag:s20] =	ssyncadd.s32 $0xFFFFC000  }
0x2f: {  	[spmem:s1] =	stream.indirect.scatter.add.f32 [tilespmem:s17], [sflag:$0x4], $0x80, s31, s15, $0xb8;
	[tilespmem:$0x1E400] =	vst v63  }
0x30: {  	_ =	swait.ge [sflag:s21], $0x4000  }
0x31: {  	[sflag:s21] =	ssyncset.done $0x0  }
0x32: {  	s28 =	simm.s32 $0x180;
	s26 =	simm.s32 $0x400;
	[sflag:s21] =	ssyncadd.s32 $0xFFFFC000  }
.LBB2_2:
0x33: {  	[tilespmem:s17], [sflag:$0x2] =	stream.indirect.gather [hbm4b:s4+s15], $0x80, s28, s15, $0xb8;
	[tilespmem:$0x1E400] =	vst v63  }
0x34: {  	s28 =	smov.u32 s26  }
0x35: {  	p0 =	sne.s32 s26, $0x4800;
	s26 =	sadd.s32 $0x400, s26;
	_ =	swait.ge [sflag:s18], $0x4000  }
0x36: {  	s28 =	sshra.s32 s28, $0x2;
	[sflag:s18] =	ssyncset.done $0x0  }
0x37: {  	s29 =	sadd.s32 $0x1400, s28;
	[sflag:s18] =	ssyncadd.s32 $0xFFFFC000  }
0x38: {  	[spmem:s1] =	stream.indirect.scatter.add.f32 [tilespmem:s16], [sflag:$0x3], $0x80, s29, s15, $0xb8;
	[tilespmem:$0x1E400] =	vst v63  }
0x39: {  	_ =	swait.ge [sflag:s19], $0x4000  }
0x3a: {  	[sflag:s19] =	ssyncset.done $0x0  }
0x3b: {  	s29 =	sadd.s32 $0x100, s28;
	[sflag:s19] =	ssyncadd.s32 $0xFFFFC000  }
0x3c: {  	[tilespmem:s16], [sflag:$0x1] =	stream.indirect.gather [hbm4b:s4+s15], $0x80, s29, s15, $0xb8;
	[tilespmem:$0x1E400] =	vst v63  }
0x3d: {  	_ =	swait.ge [sflag:s20], $0x4000  }
0x3e: {  	[sflag:s20] =	ssyncset.done $0x0  }
.Ltmp0:
0x3f: {  	s29 =	sadd.s32 $0x1480, s28;
	[sflag:s20] =	ssyncadd.s32 $0xFFFFC000;
	(pc) =	sbr.rel @p0 .LBB2_2-.Ltmp0, $4  }
0x40: {  	[spmem:s1] =	stream.indirect.scatter.add.f32 [tilespmem:s17], [sflag:$0x4], $0x80, s29, s15, $0xb8;
	[tilespmem:$0x1E400] =	vst v63  }
0x41: {  	_ =	swait.ge [sflag:s21], $0x4000  }
0x42: {  	[sflag:s21] =	ssyncset.done $0x0  }
0x43: {  	s28 =	sadd.s32 $0x180, s28;
	[sflag:s21] =	ssyncadd.s32 $0xFFFFC000  }
0x44: {  	[tilespmem:s17], [sflag:$0x2] =	stream.indirect.gather [hbm4b:s4+s15], $0x80, s28, s15, $0xb8;
	[tilespmem:$0x1E400] =	vst v63  }
0x45: {  	_ =	swait.ge [sflag:s18], $0x4000  }
0x46: {  	[sflag:s18] =	ssyncset.done $0x0  }
0x47: {  	[sflag:s18] =	ssyncadd.s32 $0xFFFFC000  }
0x48: {  	[spmem:s1] =	stream.indirect.scatter.add.f32 [tilespmem:s16], [sflag:$0x3], $0x80, s22, s15, $0xb8;
	[tilespmem:$0x1E400] =	vst v63  }
0x49: {  	_ =	swait.ge [sflag:s19], $0x4000  }
0x4a: {  	[sflag:s19] =	ssyncset.done $0x0  }
0x4b: {  	[sflag:s19] =	ssyncadd.s32 $0xFFFFC000  }
0x4c: {  	_ =	swait.ge [sflag:s20], $0x4000  }
0x4d: {  	[sflag:s20] =	ssyncset.done $0x0  }
0x4e: {  	[sflag:s20] =	ssyncadd.s32 $0xFFFFC000  }
0x4f: {  	[spmem:s1] =	stream.indirect.scatter.add.f32 [tilespmem:s17], [sflag:$0x4], $0x80, s23, s15, $0xb8;
	[tilespmem:$0x1E400] =	vst v63  }
0x50: {  	_ =	swait.ge [sflag:s21], $0x4000  }
0x51: {  	[sflag:s21] =	ssyncset.done $0x0  }
0x52: {  	s26 =	simm.s32 $0x0;
	[sflag:s21] =	ssyncadd.s32 $0xFFFFC000  }
0x53: {  	[tilespmem:s26], [sflag:$0x5] =	stream.linear.gather [hbm4b:s9+s26], $0x1400, $0x38;
	[tilespmem:$0x1E400] =	vst v63  }
0x54: {  	_ =	swait.ge [sflag:s13], $0x1400  }
0x55: {  	[sflag:s13] =	ssyncset.done $0x0  }
0x56: {  	[sflag:s13] =	ssyncadd.s32 $0xFFFFEC00  }
0x57: {  	[tilespmem:s14], [sflag:$0x5] =	stream.linear.gather [hbm4b:s10+s26], $0x1400, $0x38;
	[tilespmem:$0x1E400] =	vst v63  }
0x58: {  	_ =	swait.ge [sflag:s13], $0x1400  }
0x59: {  	[sflag:s13] =	ssyncset.done $0x0  }
0x5a: {  	[sflag:s13] =	ssyncadd.s32 $0xFFFFEC00  }
0x5b: {  	[tilespmem:s16], [sflag:$0x1] =	stream.indirect.gather [hbm4b:s4+s15], $0x80, s26, s15, $0xb8;
	[tilespmem:$0x1E400] =	vst v63  }
0x5c: {  	_ = 	snop  }
0x5d: {  	[tilespmem:s17], [sflag:$0x2] =	stream.indirect.gather [hbm4b:s4+s15], $0x80, s15, s15, $0xb8;
	[tilespmem:$0x1E400] =	vst v63  }
0x5e: {  	_ =	swait.ge [sflag:s18], $0x4000  }
0x5f: {  	[sflag:s18] =	ssyncset.done $0x0  }
0x60: {  	s29 =	simm.s32 $0x1400;
	[sflag:s18] =	ssyncadd.s32 $0xFFFFC000  }
0x61: {  	[spmem:s1] =	stream.indirect.scatter.add.f32 [tilespmem:s16], [sflag:$0x3], $0x80, s29, s15, $0xb8;
	[tilespmem:$0x1E400] =	vst v63  }
0x62: {  	_ =	swait.ge [sflag:s19], $0x4000  }
0x63: {  	[sflag:s19] =	ssyncset.done $0x0  }
0x64: {  	s30 =	simm.s32 $0x100;
	[sflag:s19] =	ssyncadd.s32 $0xFFFFC000  }
0x65: {  	[tilespmem:s16], [sflag:$0x1] =	stream.indirect.gather [hbm4b:s4+s15], $0x80, s30, s15, $0xb8;
	[tilespmem:$0x1E400] =	vst v63  }
0x66: {  	_ =	swait.ge [sflag:s20], $0x4000  }
0x67: {  	[sflag:s20] =	ssyncset.done $0x0  }
0x68: {  	s31 =	simm.s32 $0x1480;
	[sflag:s20] =	ssyncadd.s32 $0xFFFFC000  }
0x69: {  	[spmem:s1] =	stream.indirect.scatter.add.f32 [tilespmem:s17], [sflag:$0x4], $0x80, s31, s15, $0xb8;
	[tilespmem:$0x1E400] =	vst v63  }
0x6a: {  	_ =	swait.ge [sflag:s21], $0x4000  }
0x6b: {  	[sflag:s21] =	ssyncset.done $0x0  }
0x6c: {  	s28 =	simm.s32 $0x180;
	s26 =	simm.s32 $0x400;
	[sflag:s21] =	ssyncadd.s32 $0xFFFFC000  }
.LBB2_4:
0x6d: {  	[tilespmem:s17], [sflag:$0x2] =	stream.indirect.gather [hbm4b:s4+s15], $0x80, s28, s15, $0xb8;
	[tilespmem:$0x1E400] =	vst v63  }
0x6e: {  	s28 =	smov.u32 s26  }
0x6f: {  	p0 =	sne.s32 s26, $0x4800;
	s26 =	sadd.s32 $0x400, s26;
	_ =	swait.ge [sflag:s18], $0x4000  }
0x70: {  	s28 =	sshra.s32 s28, $0x2;
	[sflag:s18] =	ssyncset.done $0x0  }
0x71: {  	s29 =	sadd.s32 $0x1400, s28;
	[sflag:s18] =	ssyncadd.s32 $0xFFFFC000  }
0x72: {  	[spmem:s1] =	stream.indirect.scatter.add.f32 [tilespmem:s16], [sflag:$0x3], $0x80, s29, s15, $0xb8;
	[tilespmem:$0x1E400] =	vst v63  }
0x73: {  	_ =	swait.ge [sflag:s19], $0x4000  }
0x74: {  	[sflag:s19] =	ssyncset.done $0x0  }
0x75: {  	s29 =	sadd.s32 $0x100, s28;
	[sflag:s19] =	ssyncadd.s32 $0xFFFFC000  }
0x76: {  	[tilespmem:s16], [sflag:$0x1] =	stream.indirect.gather [hbm4b:s4+s15], $0x80, s29, s15, $0xb8;
	[tilespmem:$0x1E400] =	vst v63  }
0x77: {  	_ =	swait.ge [sflag:s20], $0x4000  }
0x78: {  	[sflag:s20] =	ssyncset.done $0x0  }
.Ltmp1:
0x79: {  	s29 =	sadd.s32 $0x1480, s28;
	[sflag:s20] =	ssyncadd.s32 $0xFFFFC000;
	(pc) =	sbr.rel @p0 .LBB2_4-.Ltmp1, $4  }
0x7a: {  	[spmem:s1] =	stream.indirect.scatter.add.f32 [tilespmem:s17], [sflag:$0x4], $0x80, s29, s15, $0xb8;
	[tilespmem:$0x1E400] =	vst v63  }
0x7b: {  	_ =	swait.ge [sflag:s21], $0x4000  }
0x7c: {  	[sflag:s21] =	ssyncset.done $0x0  }
0x7d: {  	s28 =	sadd.s32 $0x180, s28;
	[sflag:s21] =	ssyncadd.s32 $0xFFFFC000  }
0x7e: {  	[tilespmem:s17], [sflag:$0x2] =	stream.indirect.gather [hbm4b:s4+s15], $0x80, s28, s15, $0xb8;
	[tilespmem:$0x1E400] =	vst v63  }
0x7f: {  	_ =	swait.ge [sflag:s18], $0x4000  }
0x80: {  	[sflag:s18] =	ssyncset.done $0x0  }
0x81: {  	[sflag:s18] =	ssyncadd.s32 $0xFFFFC000  }
0x82: {  	[spmem:s1] =	stream.indirect.scatter.add.f32 [tilespmem:s16], [sflag:$0x3], $0x80, s22, s15, $0xb8;
	[tilespmem:$0x1E400] =	vst v63  }
0x83: {  	_ =	swait.ge [sflag:s19], $0x4000  }
0x84: {  	[sflag:s19] =	ssyncset.done $0x0  }
0x85: {  	[sflag:s19] =	ssyncadd.s32 $0xFFFFC000  }
0x86: {  	_ =	swait.ge [sflag:s20], $0x4000  }
0x87: {  	[sflag:s20] =	ssyncset.done $0x0  }
0x88: {  	[sflag:s20] =	ssyncadd.s32 $0xFFFFC000  }
0x89: {  	[spmem:s1] =	stream.indirect.scatter.add.f32 [tilespmem:s17], [sflag:$0x4], $0x80, s23, s15, $0xb8;
	[tilespmem:$0x1E400] =	vst v63  }
0x8a: {  	_ =	swait.ge [sflag:s21], $0x4000  }
0x8b: {  	s25 =	sadd.s32 $0x1, s25;
	[sflag:s21] =	ssyncset.done $0x0  }
0x8c: {  	p0 =	sne.s32 s25, s11;
	[sflag:s21] =	ssyncadd.s32 $0xFFFFC000  }
.Ltmp2:
0x8d: {  	[bflag:$0x0] =	sbarrier.arrive $0xFFFF;
	(pc) =	sbr.rel @p0 .LBB2_1-.Ltmp2, $4  }
0x8e: {  	[hbm:s24], [sflag:s6] =	dma.local [spmem:s12], $0x2780  }
0x8f: {  	_ =	swait.ge [sflag:s13], $0x2780  }
0x90: {  	[sflag:s13] =	ssyncset.done $0x0  }
0x91: {  	[sflag:s13] =	ssyncadd.s32 $0xFFFFD880  }
0x92: {  	_ =	sfence.sel $0x180000  }
0x93: {  	[bflag:$0x0] =	sbarrier.arrive $0xFFFF  }
0x94: {  	p0 =	sne.s32 s3, $0x0;
	_ =	strace $0x9000004A  }
0x95: {  	s0 =	sadd.s32 @!p0 $0x100000, s0;
	[bflag:$0x2] =	sbarrier.arrive $0xFFFF  }
0x96: {  	[sflag:s0] =	ssyncadd.tile.s32 @!p0 $0x1;
	_ =	shalt  }
.Lfunc_end2:
_tile_overlayer_lowered:
.L_overlay_start_2:
0x97: {  	(tag) =	ssettag $0x2  }
0x98: {  	s0 =	rddreg [dreg:$0x0];
	s2 =	stileid.u32  }
0x99: {  	s1 =	rddreg [dreg:$0x1];
	p0 =	sne.s32 s2, $0x0  }
0x9a: {  	s3 =	rddreg [dreg:$0x2];
	[bflag:$0x3] =	sbarrier.arrive $0xFFFF;
	s2 =	simm.s32 @!p0 $0x1C05  }
0x9b: {  	[timem:s3], [sflag:s2] =	dma.local @!p0 [hbm:s0], s1  }
0x9c: {  	s0 =	simm.s32 @!p0 $0x5  }
0x9d: {  	_ =	swait.ge @!p0 [sflag:s0], s1  }
0x9e: {  	s1 =	ssub.s32 @!p0 $0x0, s1;
	[sflag:s0] =	ssyncset.done @!p0 $0x0  }
0x9f: {  	[sflag:s0] =	ssyncadd.s32 @!p0 s1  }
0xa0: {  	[bflag:$0x3] =	sbarrier.arrive $0xFFFF  }
0xa1: {  	_ =	shalt  }

</sc_bundles>
